<compile_context>
chip_gen: v7x
topology: tpu7x:2x2x1
jax: 0.10.2.dev20260603
libtpu: 0.0.44.dev20260713+nightly
codegen_flags: <defaults>
</compile_context>

<pallas_src>
import jax
import jax.numpy as jnp
from jax import lax
from jax.experimental import pallas as pl
from jax.experimental.pallas import tpu as pltpu
from jax.experimental.pallas import tpu_sc as plsc

_B = 16384
_E = 64
_NC = 2
_NS = 16
_NW = _NC * _NS
_BPW = _B // _NW
_CH = 128
_NCH = _BPW // _CH


def _body(user_h, course_h, ut_h, ct_h, wb_h, out_h,
          uidx, cidx, u0, u1, c0, c1, wbv, outv, *sems):
    cid = lax.axis_index("c")
    sid = lax.axis_index("s")
    wid = sid * _NC + cid
    base = wid * _BPW

    ubufs = (u0, u1)
    cbufs = (c0, c1)

    pltpu.sync_copy(wb_h, wbv)
    pltpu.sync_copy(user_h.at[pl.ds(base, _BPW)], uidx)
    pltpu.sync_copy(course_h.at[pl.ds(base, _BPW)], cidx)

    def issue_chunk(ch):
        ub = ubufs[ch % 2]
        cb = cbufs[ch % 2]
        us = sems[ch % 2]
        cs = sems[2 + ch % 2]

        def r_body(r, carry):
            rv = r + ch * _CH
            ridx = jnp.zeros((16,), jnp.int32) + rv
            ru = plsc.load_gather(uidx, [ridx])[0]
            rc = plsc.load_gather(cidx, [ridx])[0]
            pltpu.async_copy(ut_h.at[ru, :], ub.at[r, :], us)
            pltpu.async_copy(ct_h.at[rc, :], cb.at[r, :], cs)
            return carry
        lax.fori_loop(0, _CH, r_body, 0)

    def drain_chunk(ch):
        ub = ubufs[ch % 2]
        cb = cbufs[ch % 2]
        us = sems[ch % 2]
        cs = sems[2 + ch % 2]

        def r_body(r, carry):
            pltpu.make_async_copy(ut_h.at[0, :], ub.at[0, :], us).wait()
            pltpu.make_async_copy(ct_h.at[0, :], cb.at[0, :], cs).wait()
            return carry
        lax.fori_loop(0, _CH, r_body, 0)

    wvecs = [wbv[pl.ds(k * 16, 16)] for k in range(5)]
    bias = wvecs[4][0]
    lane_iota = lax.iota(jnp.int32, 16)
    zero16 = jnp.zeros((16,), jnp.int32)

    def compute_chunk(ch):
        ub = ubufs[ch % 2]
        cb = cbufs[ch % 2]

        def g_body(g, carry):
            rows = g * 16 + lane_iota

            def jj_body(jj, accs):
                jb = jj * 16
                wv = wbv[pl.ds(pl.multiple_of(jb, 16), 16)]
                ibase = zero16 + jb
                for t in range(16):
                    col = ibase + t
                    uu = plsc.load_gather(ub, [rows, col])
                    cc = plsc.load_gather(cb, [rows, col])
                    accs[t % 4] = accs[t % 4] + uu * cc * wv[t]
                return accs

            accs = lax.fori_loop(0, _E // 16, jj_body,
                                 [jnp.zeros((16,), jnp.float32) + bias,
                                  jnp.zeros((16,), jnp.float32),
                                  jnp.zeros((16,), jnp.float32),
                                  jnp.zeros((16,), jnp.float32)])
            acc = (accs[0] + accs[1]) + (accs[2] + accs[3])
            off = pl.multiple_of(ch * _CH + g * 16, 16)
            outv[pl.ds(off, 16)] = acc
            return carry
        lax.fori_loop(0, _CH // 16, g_body, 0)

    issue_chunk(0)
    issue_chunk(1)
    for ch in range(_NCH):
        drain_chunk(ch)
        compute_chunk(ch)
        if ch + 2 < _NCH:
            issue_chunk(ch + 2)

    pltpu.sync_copy(outv, out_h.at[pl.ds(base, _BPW)])


def _run(user, course, user_table, course_table, wb):
    mesh = plsc.VectorSubcoreMesh(core_axis_name="c", subcore_axis_name="s")
    f = pl.kernel(
        _body,
        mesh=mesh,
        compiler_params=pltpu.CompilerParams(needs_layout_passes=False),
        out_type=jax.ShapeDtypeStruct((_B,), jnp.float32),
        scratch_types=[
            pltpu.VMEM((_BPW,), jnp.int32),
            pltpu.VMEM((_BPW,), jnp.int32),
            pltpu.VMEM((_CH, _E), jnp.float32),
            pltpu.VMEM((_CH, _E), jnp.float32),
            pltpu.VMEM((_CH, _E), jnp.float32),
            pltpu.VMEM((_CH, _E), jnp.float32),
            pltpu.VMEM((80,), jnp.float32),
            pltpu.VMEM((_BPW,), jnp.float32),
        ] + [pltpu.SemaphoreType.DMA] * 4,
    )
    return f(user, course, user_table, course_table, wb)


def kernel(user, course, user_table, course_table, fc_w, fc_b):
    wb = jnp.zeros((80,), jnp.float32)
    wb = wb.at[:_E].set(fc_w.reshape(-1)).at[_E].set(fc_b[0])
    out = _run(user, course, user_table, course_table, wb)
    return out.reshape(_B, 1)

# --- scband reference (transcript-rebuilt; emitter-appended) ---
"""Pipeline reference for scband-course-recommender-8229157339800 (READ-ONLY COPY).

The authoritative reference and input builder live on the scoring server;
editing this copy changes nothing except your own understanding.
"""

import jax, jax.numpy as jnp
import numpy as np

NUM_USERS = 1000000
NUM_COURSES = 100000
EMBED = 64
BATCH = 16384


def setup_inputs(seed: int = 0) -> dict:
    key = jax.random.key(seed)
    k1, k2, k3, k4, k5, k6 = jax.random.split(key, 6)
    user = jax.random.randint(k1, (BATCH,), 0, NUM_USERS, dtype=jnp.int64 if jax.config.jax_enable_x64 else jnp.int32).astype(jnp.int32)
    course = jax.random.randint(k2, (BATCH,), 0, NUM_COURSES, dtype=jnp.int32)
    user_table = jax.random.normal(k3, (NUM_USERS, EMBED), dtype=jnp.float32)
    course_table = jax.random.normal(k4, (NUM_COURSES, EMBED), dtype=jnp.float32)
    # fc: Linear(embed_size, 1)
    fc_w = jax.random.normal(k5, (1, EMBED), dtype=jnp.float32) * (1.0 / np.sqrt(EMBED))
    fc_b = jax.random.normal(k6, (1,), dtype=jnp.float32) * 0.01
    return {"user": user, "course": course, "user_table": user_table,
            "course_table": course_table, "fc_w": fc_w, "fc_b": fc_b}


def reference(user, course, user_table, course_table, fc_w, fc_b):
    user_embedding = jnp.take(user_table, user, axis=0)      # [B, E]
    course_embedding = jnp.take(course_table, course, axis=0)  # [B, E]
    interaction = user_embedding * course_embedding            # [B, E]
    output = interaction @ fc_w.T + fc_b                       # [B, 1]
    return output

if __name__ == "__main__":
    import jax
    _d = setup_inputs()
    print(jax.jit(kernel)(*tuple(_d.values())))

</pallas_src>

<mosaic_0001>
#map = affine_map<(d0, d1) -> (0)>
#map1 = affine_map<(d0, d1) -> (0, 0)>
module attributes {stable_mosaic.version = 14 : i64} {
  func.func @_body(%arg0: i32, %arg1: i32, %arg2: memref<16384xi32, #tpu.memory_space<hbm>>, %arg3: memref<16384xi32, #tpu.memory_space<hbm>>, %arg4: memref<1000000x64xf32, #tpu.memory_space<hbm>>, %arg5: memref<100000x64xf32, #tpu.memory_space<hbm>>, %arg6: memref<80xf32, #tpu.memory_space<hbm>>, %arg7: memref<16384xf32, #tpu.memory_space<hbm>>, %arg8: memref<512xi32, #tpu.memory_space<vmem>>, %arg9: memref<512xi32, #tpu.memory_space<vmem>>, %arg10: memref<128x64xf32, #tpu.memory_space<vmem>>, %arg11: memref<128x64xf32, #tpu.memory_space<vmem>>, %arg12: memref<128x64xf32, #tpu.memory_space<vmem>>, %arg13: memref<128x64xf32, #tpu.memory_space<vmem>>, %arg14: memref<80xf32, #tpu.memory_space<vmem>>, %arg15: memref<512xf32, #tpu.memory_space<vmem>>, %arg16: memref<!tpu.dma_semaphore, #tpu.memory_space<semaphore_mem>>, %arg17: memref<!tpu.dma_semaphore, #tpu.memory_space<semaphore_mem>>, %arg18: memref<!tpu.dma_semaphore, #tpu.memory_space<semaphore_mem>>, %arg19: memref<!tpu.dma_semaphore, #tpu.memory_space<semaphore_mem>>) attributes {dimension_semantics = [#tpu.dimension_semantics<core_parallel>, #tpu.dimension_semantics<subcore_parallel>], iteration_bounds = array<i64: 2, 16>, scalar_prefetch = 0 : i64, scratch_operands = 12 : i64, tpu.core_type = #tpu.core_type<sc_vector_subcore>, window_params = [{transform_indices = #map}, {transform_indices = #map}, {transform_indices = #map1}, {transform_indices = #map1}, {transform_indices = #map}, {transform_indices = #map}]} {
    %mul3A = arith.constant 2 : i32
    %mul3A_0 = arith.muli %arg1, %mul3A : i32
    %add3A = arith.addi %mul3A_0, %arg0 : i32
    %mul3A_1 = arith.constant 512 : i32
    %mul3A_2 = arith.muli %add3A, %mul3A_1 : i32
    "tpu.region"() ({
      %run_scoped3A = tpu.sem_alloc : memref<!tpu.dma_semaphore, #tpu.memory_space<semaphore_mem>>
      tpu.enqueue_dma source(%arg6 : memref<80xf32, #tpu.memory_space<hbm>>) target(%arg14 : memref<80xf32, #tpu.memory_space<vmem>>) target_semaphore(%run_scoped3A : memref<!tpu.dma_semaphore, #tpu.memory_space<semaphore_mem>>)
      tpu.wait_dma2 semaphore(%run_scoped3A : memref<!tpu.dma_semaphore, #tpu.memory_space<semaphore_mem>>) src(%arg6 : memref<80xf32, #tpu.memory_space<hbm>>) dst(%arg14 : memref<80xf32, #tpu.memory_space<vmem>>)
      tpu.yield
    }) : () -> ()
    "tpu.region"() ({
      %run_scoped3A = tpu.sem_alloc : memref<!tpu.dma_semaphore, #tpu.memory_space<semaphore_mem>>
      %dma_start3A = tpu.memref_slice %arg2[%mul3A_2] : memref<16384xi32, #tpu.memory_space<hbm>> -> memref<512xi32, #tpu.memory_space<hbm>>
      %dma_start3A_84 = tpu.memref_slice %arg2[%mul3A_2] : memref<16384xi32, #tpu.memory_space<hbm>> -> memref<512xi32, #tpu.memory_space<hbm>>
      tpu.enqueue_dma source(%dma_start3A_84 : memref<512xi32, #tpu.memory_space<hbm>>) target(%arg8 : memref<512xi32, #tpu.memory_space<vmem>>) target_semaphore(%run_scoped3A : memref<!tpu.dma_semaphore, #tpu.memory_space<semaphore_mem>>)
      %dma_wait3A = tpu.memref_slice %arg2[%mul3A_2] : memref<16384xi32, #tpu.memory_space<hbm>> -> memref<512xi32, #tpu.memory_space<hbm>>
      %dma_wait3A_85 = tpu.memref_slice %arg2[%mul3A_2] : memref<16384xi32, #tpu.memory_space<hbm>> -> memref<512xi32, #tpu.memory_space<hbm>>
      tpu.wait_dma2 semaphore(%run_scoped3A : memref<!tpu.dma_semaphore, #tpu.memory_space<semaphore_mem>>) src(%dma_wait3A_85 : memref<512xi32, #tpu.memory_space<hbm>>) dst(%arg8 : memref<512xi32, #tpu.memory_space<vmem>>)
      tpu.yield
    }) : () -> ()
    "tpu.region"() ({
      %run_scoped3A = tpu.sem_alloc : memref<!tpu.dma_semaphore, #tpu.memory_space<semaphore_mem>>
      %dma_start3A = tpu.memref_slice %arg3[%mul3A_2] : memref<16384xi32, #tpu.memory_space<hbm>> -> memref<512xi32, #tpu.memory_space<hbm>>
      %dma_start3A_84 = tpu.memref_slice %arg3[%mul3A_2] : memref<16384xi32, #tpu.memory_space<hbm>> -> memref<512xi32, #tpu.memory_space<hbm>>
      tpu.enqueue_dma source(%dma_start3A_84 : memref<512xi32, #tpu.memory_space<hbm>>) target(%arg9 : memref<512xi32, #tpu.memory_space<vmem>>) target_semaphore(%run_scoped3A : memref<!tpu.dma_semaphore, #tpu.memory_space<semaphore_mem>>)
      %dma_wait3A = tpu.memref_slice %arg3[%mul3A_2] : memref<16384xi32, #tpu.memory_space<hbm>> -> memref<512xi32, #tpu.memory_space<hbm>>
      %dma_wait3A_85 = tpu.memref_slice %arg3[%mul3A_2] : memref<16384xi32, #tpu.memory_space<hbm>> -> memref<512xi32, #tpu.memory_space<hbm>>
      tpu.wait_dma2 semaphore(%run_scoped3A : memref<!tpu.dma_semaphore, #tpu.memory_space<semaphore_mem>>) src(%dma_wait3A_85 : memref<512xi32, #tpu.memory_space<hbm>>) dst(%arg9 : memref<512xi32, #tpu.memory_space<vmem>>)
      tpu.yield
    }) : () -> ()
    %get3A = arith.constant 0 : index
    %get3A_3 = tpu.vector_load %arg14[%get3A] {strides = array<i32>} : memref<80xf32, #tpu.memory_space<vmem>>, vector<16xf32>,
    %get3A_4 = arith.constant 16 : index
    %get3A_5 = tpu.vector_load %arg14[%get3A_4] {strides = array<i32>} : memref<80xf32, #tpu.memory_space<vmem>>, vector<16xf32>,
    %get3A_6 = arith.constant 32 : index
    %get3A_7 = tpu.vector_load %arg14[%get3A_6] {strides = array<i32>} : memref<80xf32, #tpu.memory_space<vmem>>, vector<16xf32>,
    %get3A_8 = arith.constant 48 : index
    %get3A_9 = tpu.vector_load %arg14[%get3A_8] {strides = array<i32>} : memref<80xf32, #tpu.memory_space<vmem>>, vector<16xf32>,
    %get3A_10 = arith.constant 64 : index
    %get3A_11 = tpu.vector_load %arg14[%get3A_10] {strides = array<i32>} : memref<80xf32, #tpu.memory_space<vmem>>, vector<16xf32>,
    %slice3A = vector.extract_strided_slice %get3A_11 {offsets = [0], sizes = [1], strides = [1]} : vector<16xf32> to vector<1xf32>
    %squeeze3A = vector.extract %slice3A[0] : f32 from vector<1xf32>
    %iota3A = tpu.iota {dimensions = array<i32: 0>} : vector<16xi32>
    %broadcast_in_dim3A = arith.constant 0 : i32
    %broadcast_in_dim3A_12 = vector.broadcast %broadcast_in_dim3A : i32 to vector<16xi32>
    %scan3A = arith.constant 0 : i32
    %scan3A_13 = arith.constant 0 : i32
    %scan3A_14 = arith.constant 128 : i32
    %scan3A_15 = arith.addi %scan3A_13, %scan3A_14 : i32
    %scan3A_16 = arith.constant 1 : i32
    scf.for %scan3A_84 = %scan3A_13 to %scan3A_15 step %scan3A_16  : i32 {
      %add3A_85 = arith.constant 0 : i32
      %add3A_86 = arith.addi %scan3A_84, %add3A_85 : i32
      %broadcast_in_dim3A_87 = arith.constant 0 : i32
      %broadcast_in_dim3A_88 = vector.broadcast %broadcast_in_dim3A_87 : i32 to vector<16xi32>
      %add3A_89 = vector.broadcast %add3A_86 : i32 to vector<16xi32>
      %add3A_90 = arith.addi %broadcast_in_dim3A_88, %add3A_89 : vector<16xi32>
      %gather3A = tpu.vector_load_idx %arg8[%add3A_90] : memref<512xi32, #tpu.memory_space<vmem>>[vector<16xi32>], vector<16xi32>,
      %slice3A_91 = vector.extract_strided_slice %gather3A {offsets = [0], sizes = [1], strides = [1]} : vector<16xi32> to vector<1xi32>
      %squeeze3A_92 = vector.extract %slice3A_91[0] : i32 from vector<1xi32>
      %gather3A_93 = tpu.vector_load_idx %arg9[%add3A_90] : memref<512xi32, #tpu.memory_space<vmem>>[vector<16xi32>], vector<16xi32>,
      %slice3A_94 = vector.extract_strided_slice %gather3A_93 {offsets = [0], sizes = [1], strides = [1]} : vector<16xi32> to vector<1xi32>
      %squeeze3A_95 = vector.extract %slice3A_94[0] : i32 from vector<1xi32>
      %dma_start3A = arith.constant 0 : i32
      %dma_start3A_96 = tpu.memref_slice %arg10[%scan3A_84, %dma_start3A] : memref<128x64xf32, #tpu.memory_space<vmem>> -> memref<1x64xf32, #tpu.memory_space<vmem>>
      %dma_start3A_97 = tpu.memref_squeeze %dma_start3A_96 : memref<1x64xf32, #tpu.memory_space<vmem>> -> memref<64xf32, #tpu.memory_space<vmem>>
      %dma_start3A_98 = arith.constant 0 : i32
      %dma_start3A_99 = tpu.memref_slice %arg4[%squeeze3A_92, %dma_start3A_98] : memref<1000000x64xf32, #tpu.memory_space<hbm>> -> memref<1x64xf32, #tpu.memory_space<hbm>>
      %dma_start3A_100 = tpu.memref_squeeze %dma_start3A_99 : memref<1x64xf32, #tpu.memory_space<hbm>> -> memref<64xf32, #tpu.memory_space<hbm>>
      %dma_start3A_101 = arith.constant 0 : i32
      %dma_start3A_102 = tpu.memref_slice %arg10[%scan3A_84, %dma_start3A_101] : memref<128x64xf32, #tpu.memory_space<vmem>> -> memref<1x64xf32, #tpu.memory_space<vmem>>
      %dma_start3A_103 = tpu.memref_squeeze %dma_start3A_102 : memref<1x64xf32, #tpu.memory_space<vmem>> -> memref<64xf32, #tpu.memory_space<vmem>>
      %dma_start3A_104 = arith.constant 0 : i32
      %dma_start3A_105 = tpu.memref_slice %arg4[%squeeze3A_92, %dma_start3A_104] : memref<1000000x64xf32, #tpu.memory_space<hbm>> -> memref<1x64xf32, #tpu.memory_space<hbm>>
      %dma_start3A_106 = tpu.memref_squeeze %dma_start3A_105 : memref<1x64xf32, #tpu.memory_space<hbm>> -> memref<64xf32, #tpu.memory_space<hbm>>
      tpu.enqueue_dma source(%dma_start3A_106 : memref<64xf32, #tpu.memory_space<hbm>>) target(%dma_start3A_103 : memref<64xf32, #tpu.memory_space<vmem>>) target_semaphore(%arg16 : memref<!tpu.dma_semaphore, #tpu.memory_space<semaphore_mem>>)
      %dma_start3A_107 = arith.constant 0 : i32
      %dma_start3A_108 = tpu.memref_slice %arg12[%scan3A_84, %dma_start3A_107] : memref<128x64xf32, #tpu.memory_space<vmem>> -> memref<1x64xf32, #tpu.memory_space<vmem>>
      %dma_start3A_109 = tpu.memref_squeeze %dma_start3A_108 : memref<1x64xf32, #tpu.memory_space<vmem>> -> memref<64xf32, #tpu.memory_space<vmem>>
      %dma_start3A_110 = arith.constant 0 : i32
      %dma_start3A_111 = tpu.memref_slice %arg5[%squeeze3A_95, %dma_start3A_110] : memref<100000x64xf32, #tpu.memory_space<hbm>> -> memref<1x64xf32, #tpu.memory_space<hbm>>
      %dma_start3A_112 = tpu.memref_squeeze %dma_start3A_111 : memref<1x64xf32, #tpu.memory_space<hbm>> -> memref<64xf32, #tpu.memory_space<hbm>>
      %dma_start3A_113 = arith.constant 0 : i32
      %dma_start3A_114 = tpu.memref_slice %arg12[%scan3A_84, %dma_start3A_113] : memref<128x64xf32, #tpu.memory_space<vmem>> -> memref<1x64xf32, #tpu.memory_space<vmem>>
      %dma_start3A_115 = tpu.memref_squeeze %dma_start3A_114 : memref<1x64xf32, #tpu.memory_space<vmem>> -> memref<64xf32, #tpu.memory_space<vmem>>
      %dma_start3A_116 = arith.constant 0 : i32
      %dma_start3A_117 = tpu.memref_slice %arg5[%squeeze3A_95, %dma_start3A_116] : memref<100000x64xf32, #tpu.memory_space<hbm>> -> memref<1x64xf32, #tpu.memory_space<hbm>>
      %dma_start3A_118 = tpu.memref_squeeze %dma_start3A_117 : memref<1x64xf32, #tpu.memory_space<hbm>> -> memref<64xf32, #tpu.memory_space<hbm>>
      tpu.enqueue_dma source(%dma_start3A_118 : memref<64xf32, #tpu.memory_space<hbm>>) target(%dma_start3A_115 : memref<64xf32, #tpu.memory_space<vmem>>) target_semaphore(%arg18 : memref<!tpu.dma_semaphore, #tpu.memory_space<semaphore_mem>>)
    }
    %scan3A_17 = arith.constant 128 : i32
    %scan3A_18 = arith.constant 0 : i32
    %scan3A_19 = arith.constant 0 : i32
    %scan3A_20 = arith.constant 128 : i32
    %scan3A_21 = arith.addi %scan3A_19, %scan3A_20 : i32
    %scan3A_22 = arith.constant 1 : i32
    scf.for %scan3A_84 = %scan3A_19 to %scan3A_21 step %scan3A_22  : i32 {
      %add3A_85 = arith.constant 128 : i32
      %add3A_86 = arith.addi %scan3A_84, %add3A_85 : i32
      %broadcast_in_dim3A_87 = arith.constant 0 : i32
      %broadcast_in_dim3A_88 = vector.broadcast %broadcast_in_dim3A_87 : i32 to vector<16xi32>
      %add3A_89 = vector.broadcast %add3A_86 : i32 to vector<16xi32>
      %add3A_90 = arith.addi %broadcast_in_dim3A_88, %add3A_89 : vector<16xi32>
      %gather3A = tpu.vector_load_idx %arg8[%add3A_90] : memref<512xi32, #tpu.memory_space<vmem>>[vector<16xi32>], vector<16xi32>,
      %slice3A_91 = vector.extract_strided_slice %gather3A {offsets = [0], sizes = [1], strides = [1]} : vector<16xi32> to vector<1xi32>
      %squeeze3A_92 = vector.extract %slice3A_91[0] : i32 from vector<1xi32>
      %gather3A_93 = tpu.vector_load_idx %arg9[%add3A_90] : memref<512xi32, #tpu.memory_space<vmem>>[vector<16xi32>], vector<16xi32>,
      %slice3A_94 = vector.extract_strided_slice %gather3A_93 {offsets = [0], sizes = [1], strides = [1]} : vector<16xi32> to vector<1xi32>
      %squeeze3A_95 = vector.extract %slice3A_94[0] : i32 from vector<1xi32>
      %dma_start3A = arith.constant 0 : i32
      %dma_start3A_96 = tpu.memref_slice %arg11[%scan3A_84, %dma_start3A] : memref<128x64xf32, #tpu.memory_space<vmem>> -> memref<1x64xf32, #tpu.memory_space<vmem>>
      %dma_start3A_97 = tpu.memref_squeeze %dma_start3A_96 : memref<1x64xf32, #tpu.memory_space<vmem>> -> memref<64xf32, #tpu.memory_space<vmem>>
      %dma_start3A_98 = arith.constant 0 : i32
      %dma_start3A_99 = tpu.memref_slice %arg4[%squeeze3A_92, %dma_start3A_98] : memref<1000000x64xf32, #tpu.memory_space<hbm>> -> memref<1x64xf32, #tpu.memory_space<hbm>>
      %dma_start3A_100 = tpu.memref_squeeze %dma_start3A_99 : memref<1x64xf32, #tpu.memory_space<hbm>> -> memref<64xf32, #tpu.memory_space<hbm>>
      %dma_start3A_101 = arith.constant 0 : i32
      %dma_start3A_102 = tpu.memref_slice %arg11[%scan3A_84, %dma_start3A_101] : memref<128x64xf32, #tpu.memory_space<vmem>> -> memref<1x64xf32, #tpu.memory_space<vmem>>
      %dma_start3A_103 = tpu.memref_squeeze %dma_start3A_102 : memref<1x64xf32, #tpu.memory_space<vmem>> -> memref<64xf32, #tpu.memory_space<vmem>>
      %dma_start3A_104 = arith.constant 0 : i32
      %dma_start3A_105 = tpu.memref_slice %arg4[%squeeze3A_92, %dma_start3A_104] : memref<1000000x64xf32, #tpu.memory_space<hbm>> -> memref<1x64xf32, #tpu.memory_space<hbm>>
      %dma_start3A_106 = tpu.memref_squeeze %dma_start3A_105 : memref<1x64xf32, #tpu.memory_space<hbm>> -> memref<64xf32, #tpu.memory_space<hbm>>
      tpu.enqueue_dma source(%dma_start3A_106 : memref<64xf32, #tpu.memory_space<hbm>>) target(%dma_start3A_103 : memref<64xf32, #tpu.memory_space<vmem>>) target_semaphore(%arg17 : memref<!tpu.dma_semaphore, #tpu.memory_space<semaphore_mem>>)
      %dma_start3A_107 = arith.constant 0 : i32
      %dma_start3A_108 = tpu.memref_slice %arg13[%scan3A_84, %dma_start3A_107] : memref<128x64xf32, #tpu.memory_space<vmem>> -> memref<1x64xf32, #tpu.memory_space<vmem>>
      %dma_start3A_109 = tpu.memref_squeeze %dma_start3A_108 : memref<1x64xf32, #tpu.memory_space<vmem>> -> memref<64xf32, #tpu.memory_space<vmem>>
      %dma_start3A_110 = arith.constant 0 : i32
      %dma_start3A_111 = tpu.memref_slice %arg5[%squeeze3A_95, %dma_start3A_110] : memref<100000x64xf32, #tpu.memory_space<hbm>> -> memref<1x64xf32, #tpu.memory_space<hbm>>
      %dma_start3A_112 = tpu.memref_squeeze %dma_start3A_111 : memref<1x64xf32, #tpu.memory_space<hbm>> -> memref<64xf32, #tpu.memory_space<hbm>>
      %dma_start3A_113 = arith.constant 0 : i32
      %dma_start3A_114 = tpu.memref_slice %arg13[%scan3A_84, %dma_start3A_113] : memref<128x64xf32, #tpu.memory_space<vmem>> -> memref<1x64xf32, #tpu.memory_space<vmem>>
      %dma_start3A_115 = tpu.memref_squeeze %dma_start3A_114 : memref<1x64xf32, #tpu.memory_space<vmem>> -> memref<64xf32, #tpu.memory_space<vmem>>
      %dma_start3A_116 = arith.constant 0 : i32
      %dma_start3A_117 = tpu.memref_slice %arg5[%squeeze3A_95, %dma_start3A_116] : memref<100000x64xf32, #tpu.memory_space<hbm>> -> memref<1x64xf32, #tpu.memory_space<hbm>>
      %dma_start3A_118 = tpu.memref_squeeze %dma_start3A_117 : memref<1x64xf32, #tpu.memory_space<hbm>> -> memref<64xf32, #tpu.memory_space<hbm>>
      tpu.enqueue_dma source(%dma_start3A_118 : memref<64xf32, #tpu.memory_space<hbm>>) target(%dma_start3A_115 : memref<64xf32, #tpu.memory_space<vmem>>) target_semaphore(%arg19 : memref<!tpu.dma_semaphore, #tpu.memory_space<semaphore_mem>>)
    }
    %scan3A_23 = arith.constant 128 : i32
    %scan3A_24 = arith.constant 0 : i32
    %scan3A_25 = arith.constant 0 : i32
    %scan3A_26 = arith.constant 128 : i32
    %scan3A_27 = arith.addi %scan3A_25, %scan3A_26 : i32
    %scan3A_28 = arith.constant 1 : i32
    scf.for %scan3A_84 = %scan3A_25 to %scan3A_27 step %scan3A_28  : i32 {
      %dma_wait3A = arith.constant 0 : i32
      %dma_wait3A_85 = arith.constant 0 : i32
      %dma_wait3A_86 = arith.constant 0 : i32
      %dma_wait3A_87 = tpu.memref_slice %arg10[%dma_wait3A_85, %dma_wait3A_86] : memref<128x64xf32, #tpu.memory_space<vmem>> -> memref<1x64xf32, #tpu.memory_space<vmem>>
      %dma_wait3A_88 = tpu.memref_squeeze %dma_wait3A_87 : memref<1x64xf32, #tpu.memory_space<vmem>> -> memref<64xf32, #tpu.memory_space<vmem>>
      %dma_wait3A_89 = arith.constant 0 : i32
      %dma_wait3A_90 = tpu.memref_slice %arg4[%dma_wait3A, %dma_wait3A_89] : memref<1000000x64xf32, #tpu.memory_space<hbm>> -> memref<1x64xf32, #tpu.memory_space<hbm>>
      %dma_wait3A_91 = tpu.memref_squeeze %dma_wait3A_90 : memref<1x64xf32, #tpu.memory_space<hbm>> -> memref<64xf32, #tpu.memory_space<hbm>>
      %dma_wait3A_92 = arith.constant 0 : i32
      %dma_wait3A_93 = tpu.memref_slice %arg10[%dma_wait3A_85, %dma_wait3A_92] : memref<128x64xf32, #tpu.memory_space<vmem>> -> memref<1x64xf32, #tpu.memory_space<vmem>>
      %dma_wait3A_94 = tpu.memref_squeeze %dma_wait3A_93 : memref<1x64xf32, #tpu.memory_space<vmem>> -> memref<64xf32, #tpu.memory_space<vmem>>
      %dma_wait3A_95 = arith.constant 0 : i32
      %dma_wait3A_96 = tpu.memref_slice %arg4[%dma_wait3A, %dma_wait3A_95] : memref<1000000x64xf32, #tpu.memory_space<hbm>> -> memref<1x64xf32, #tpu.memory_space<hbm>>
      %dma_wait3A_97 = tpu.memref_squeeze %dma_wait3A_96 : memref<1x64xf32, #tpu.memory_space<hbm>> -> memref<64xf32, #tpu.memory_space<hbm>>
      tpu.wait_dma2 semaphore(%arg16 : memref<!tpu.dma_semaphore, #tpu.memory_space<semaphore_mem>>) src(%dma_wait3A_97 : memref<64xf32, #tpu.memory_space<hbm>>) dst(%dma_wait3A_94 : memref<64xf32, #tpu.memory_space<vmem>>)
      %dma_wait3A_98 = arith.constant 0 : i32
      %dma_wait3A_99 = arith.constant 0 : i32
      %dma_wait3A_100 = arith.constant 0 : i32
      %dma_wait3A_101 = tpu.memref_slice %arg12[%dma_wait3A_99, %dma_wait3A_100] : memref<128x64xf32, #tpu.memory_space<vmem>> -> memref<1x64xf32, #tpu.memory_space<vmem>>
      %dma_wait3A_102 = tpu.memref_squeeze %dma_wait3A_101 : memref<1x64xf32, #tpu.memory_space<vmem>> -> memref<64xf32, #tpu.memory_space<vmem>>
      %dma_wait3A_103 = arith.constant 0 : i32
      %dma_wait3A_104 = tpu.memref_slice %arg5[%dma_wait3A_98, %dma_wait3A_103] : memref<100000x64xf32, #tpu.memory_space<hbm>> -> memref<1x64xf32, #tpu.memory_space<hbm>>
      %dma_wait3A_105 = tpu.memref_squeeze %dma_wait3A_104 : memref<1x64xf32, #tpu.memory_space<hbm>> -> memref<64xf32, #tpu.memory_space<hbm>>
      %dma_wait3A_106 = arith.constant 0 : i32
      %dma_wait3A_107 = tpu.memref_slice %arg12[%dma_wait3A_99, %dma_wait3A_106] : memref<128x64xf32, #tpu.memory_space<vmem>> -> memref<1x64xf32, #tpu.memory_space<vmem>>
      %dma_wait3A_108 = tpu.memref_squeeze %dma_wait3A_107 : memref<1x64xf32, #tpu.memory_space<vmem>> -> memref<64xf32, #tpu.memory_space<vmem>>
      %dma_wait3A_109 = arith.constant 0 : i32
      %dma_wait3A_110 = tpu.memref_slice %arg5[%dma_wait3A_98, %dma_wait3A_109] : memref<100000x64xf32, #tpu.memory_space<hbm>> -> memref<1x64xf32, #tpu.memory_space<hbm>>
      %dma_wait3A_111 = tpu.memref_squeeze %dma_wait3A_110 : memref<1x64xf32, #tpu.memory_space<hbm>> -> memref<64xf32, #tpu.memory_space<hbm>>
      tpu.wait_dma2 semaphore(%arg18 : memref<!tpu.dma_semaphore, #tpu.memory_space<semaphore_mem>>) src(%dma_wait3A_111 : memref<64xf32, #tpu.memory_space<hbm>>) dst(%dma_wait3A_108 : memref<64xf32, #tpu.memory_space<vmem>>)
    }
    %scan3A_29 = arith.constant 128 : i32
    %scan3A_30 = arith.constant 0 : i32
    %scan3A_31 = arith.constant 0 : i32
    %scan3A_32 = arith.constant 8 : i32
    %scan3A_33 = arith.addi %scan3A_31, %scan3A_32 : i32
    %scan3A_34 = arith.constant 1 : i32
    scf.for %scan3A_84 = %scan3A_31 to %scan3A_33 step %scan3A_34  : i32 {
      %mul3A_85 = arith.constant 16 : i32
      %mul3A_86 = arith.muli %scan3A_84, %mul3A_85 : i32
      %add3A_87 = vector.broadcast %mul3A_86 : i32 to vector<16xi32>
      %add3A_88 = arith.addi %add3A_87, %iota3A : vector<16xi32>
      %broadcast_in_dim3A_89 = arith.constant 0.000000e+00 : f32
      %broadcast_in_dim3A_90 = vector.broadcast %broadcast_in_dim3A_89 : f32 to vector<16xf32>
      %add3A_91 = vector.broadcast %squeeze3A : f32 to vector<16xf32>
      %add3A_92 = arith.addf %broadcast_in_dim3A_90, %add3A_91 : vector<16xf32>
      %broadcast_in_dim3A_93 = arith.constant 0.000000e+00 : f32
      %broadcast_in_dim3A_94 = vector.broadcast %broadcast_in_dim3A_93 : f32 to vector<16xf32>
      %broadcast_in_dim3A_95 = arith.constant 0.000000e+00 : f32
      %broadcast_in_dim3A_96 = vector.broadcast %broadcast_in_dim3A_95 : f32 to vector<16xf32>
      %broadcast_in_dim3A_97 = arith.constant 0.000000e+00 : f32
      %broadcast_in_dim3A_98 = vector.broadcast %broadcast_in_dim3A_97 : f32 to vector<16xf32>
      %scan3A_99 = arith.constant 0 : i32
      %scan3A_100 = arith.constant 4 : i32
      %scan3A_101 = arith.addi %scan3A_99, %scan3A_100 : i32
      %scan3A_102 = arith.constant 1 : i32
      %scan3A_103:4 = scf.for %scan3A_113 = %scan3A_99 to %scan3A_101 step %scan3A_102 iter_args(%scan3A_114 = %add3A_92, %scan3A_115 = %broadcast_in_dim3A_94, %scan3A_116 = %broadcast_in_dim3A_96, %scan3A_117 = %broadcast_in_dim3A_98) -> (vector<16xf32>, vector<16xf32>, vector<16xf32>, vector<16xf32>)  : i32 {
        %mul3A_118 = arith.constant 16 : i32
        %mul3A_119 = arith.muli %scan3A_113, %mul3A_118 : i32
        %multiple_of3A_120 = tpu.assume_multiple %mul3A_119, 16 : i32
        %get3A_121 = arith.index_cast %multiple_of3A_120 : i32 to index
        %get3A_122 = tpu.vector_load %arg14[%get3A_121] {strides = array<i32>} : memref<80xf32, #tpu.memory_space<vmem>>, vector<16xf32>,
        %add3A_123 = vector.broadcast %mul3A_119 : i32 to vector<16xi32>
        %add3A_124 = arith.addi %broadcast_in_dim3A_12, %add3A_123 : vector<16xi32>
        %add3A_125 = arith.constant 0 : i32
        %add3A_126 = vector.broadcast %add3A_125 : i32 to vector<16xi32>
        %add3A_127 = arith.addi %add3A_124, %add3A_126 : vector<16xi32>
        %gather3A = tpu.vector_load_idx %arg10[%add3A_88, %add3A_127] : memref<128x64xf32, #tpu.memory_space<vmem>>[vector<16xi32>, vector<16xi32>], vector<16xf32>,
        %gather3A_128 = tpu.vector_load_idx %arg12[%add3A_88, %add3A_127] : memref<128x64xf32, #tpu.memory_space<vmem>>[vector<16xi32>, vector<16xi32>], vector<16xf32>,
        %mul3A_129 = arith.mulf %gather3A, %gather3A_128 : vector<16xf32>
        %slice3A_130 = vector.extract_strided_slice %get3A_122 {offsets = [0], sizes = [1], strides = [1]} : vector<16xf32> to vector<1xf32>
        %squeeze3A_131 = vector.extract %slice3A_130[0] : f32 from vector<1xf32>
        %mul3A_132 = vector.broadcast %squeeze3A_131 : f32 to vector<16xf32>
        %mul3A_133 = arith.mulf %mul3A_129, %mul3A_132 : vector<16xf32>
        %add3A_134 = arith.addf %scan3A_114, %mul3A_133 : vector<16xf32>
        %add3A_135 = arith.constant 1 : i32
        %add3A_136 = vector.broadcast %add3A_135 : i32 to vector<16xi32>
        %add3A_137 = arith.addi %add3A_124, %add3A_136 : vector<16xi32>
        %gather3A_138 = tpu.vector_load_idx %arg10[%add3A_88, %add3A_137] : memref<128x64xf32, #tpu.memory_space<vmem>>[vector<16xi32>, vector<16xi32>], vector<16xf32>,
        %gather3A_139 = tpu.vector_load_idx %arg12[%add3A_88, %add3A_137] : memref<128x64xf32, #tpu.memory_space<vmem>>[vector<16xi32>, vector<16xi32>], vector<16xf32>,
        %mul3A_140 = arith.mulf %gather3A_138, %gather3A_139 : vector<16xf32>
        %slice3A_141 = vector.extract_strided_slice %get3A_122 {offsets = [1], sizes = [1], strides = [1]} : vector<16xf32> to vector<1xf32>
        %squeeze3A_142 = vector.extract %slice3A_141[0] : f32 from vector<1xf32>
        %mul3A_143 = vector.broadcast %squeeze3A_142 : f32 to vector<16xf32>
        %mul3A_144 = arith.mulf %mul3A_140, %mul3A_143 : vector<16xf32>
        %add3A_145 = arith.addf %scan3A_115, %mul3A_144 : vector<16xf32>
        %add3A_146 = arith.constant 2 : i32
        %add3A_147 = vector.broadcast %add3A_146 : i32 to vector<16xi32>
        %add3A_148 = arith.addi %add3A_124, %add3A_147 : vector<16xi32>
        %gather3A_149 = tpu.vector_load_idx %arg10[%add3A_88, %add3A_148] : memref<128x64xf32, #tpu.memory_space<vmem>>[vector<16xi32>, vector<16xi32>], vector<16xf32>,
        %gather3A_150 = tpu.vector_load_idx %arg12[%add3A_88, %add3A_148] : memref<128x64xf32, #tpu.memory_space<vmem>>[vector<16xi32>, vector<16xi32>], vector<16xf32>,
        %mul3A_151 = arith.mulf %gather3A_149, %gather3A_150 : vector<16xf32>
        %slice3A_152 = vector.extract_strided_slice %get3A_122 {offsets = [2], sizes = [1], strides = [1]} : vector<16xf32> to vector<1xf32>
        %squeeze3A_153 = vector.extract %slice3A_152[0] : f32 from vector<1xf32>
        %mul3A_154 = vector.broadcast %squeeze3A_153 : f32 to vector<16xf32>
        %mul3A_155 = arith.mulf %mul3A_151, %mul3A_154 : vector<16xf32>
        %add3A_156 = arith.addf %scan3A_116, %mul3A_155 : vector<16xf32>
        %add3A_157 = arith.constant 3 : i32
        %add3A_158 = vector.broadcast %add3A_157 : i32 to vector<16xi32>
        %add3A_159 = arith.addi %add3A_124, %add3A_158 : vector<16xi32>
        %gather3A_160 = tpu.vector_load_idx %arg10[%add3A_88, %add3A_159] : memref<128x64xf32, #tpu.memory_space<vmem>>[vector<16xi32>, vector<16xi32>], vector<16xf32>,
        %gather3A_161 = tpu.vector_load_idx %arg12[%add3A_88, %add3A_159] : memref<128x64xf32, #tpu.memory_space<vmem>>[vector<16xi32>, vector<16xi32>], vector<16xf32>,
        %mul3A_162 = arith.mulf %gather3A_160, %gather3A_161 : vector<16xf32>
        %slice3A_163 = vector.extract_strided_slice %get3A_122 {offsets = [3], sizes = [1], strides = [1]} : vector<16xf32> to vector<1xf32>
        %squeeze3A_164 = vector.extract %slice3A_163[0] : f32 from vector<1xf32>
        %mul3A_165 = vector.broadcast %squeeze3A_164 : f32 to vector<16xf32>
        %mul3A_166 = arith.mulf %mul3A_162, %mul3A_165 : vector<16xf32>
        %add3A_167 = arith.addf %scan3A_117, %mul3A_166 : vector<16xf32>
        %add3A_168 = arith.constant 4 : i32
        %add3A_169 = vector.broadcast %add3A_168 : i32 to vector<16xi32>
        %add3A_170 = arith.addi %add3A_124, %add3A_169 : vector<16xi32>
        %gather3A_171 = tpu.vector_load_idx %arg10[%add3A_88, %add3A_170] : memref<128x64xf32, #tpu.memory_space<vmem>>[vector<16xi32>, vector<16xi32>], vector<16xf32>,
        %gather3A_172 = tpu.vector_load_idx %arg12[%add3A_88, %add3A_170] : memref<128x64xf32, #tpu.memory_space<vmem>>[vector<16xi32>, vector<16xi32>], vector<16xf32>,
        %mul3A_173 = arith.mulf %gather3A_171, %gather3A_172 : vector<16xf32>
        %slice3A_174 = vector.extract_strided_slice %get3A_122 {offsets = [4], sizes = [1], strides = [1]} : vector<16xf32> to vector<1xf32>
        %squeeze3A_175 = vector.extract %slice3A_174[0] : f32 from vector<1xf32>
        %mul3A_176 = vector.broadcast %squeeze3A_175 : f32 to vector<16xf32>
        %mul3A_177 = arith.mulf %mul3A_173, %mul3A_176 : vector<16xf32>
        %add3A_178 = arith.addf %add3A_134, %mul3A_177 : vector<16xf32>
        %add3A_179 = arith.constant 5 : i32
        %add3A_180 = vector.broadcast %add3A_179 : i32 to vector<16xi32>
        %add3A_181 = arith.addi %add3A_124, %add3A_180 : vector<16xi32>
        %gather3A_182 = tpu.vector_load_idx %arg10[%add3A_88, %add3A_181] : memref<128x64xf32, #tpu.memory_space<vmem>>[vector<16xi32>, vector<16xi32>], vector<16xf32>,
        %gather3A_183 = tpu.vector_load_idx %arg12[%add3A_88, %add3A_181] : memref<128x64xf32, #tpu.memory_space<vmem>>[vector<16xi32>, vector<16xi32>], vector<16xf32>,
        %mul3A_184 = arith.mulf %gather3A_182, %gather3A_183 : vector<16xf32>
        %slice3A_185 = vector.extract_strided_slice %get3A_122 {offsets = [5], sizes = [1], strides = [1]} : vector<16xf32> to vector<1xf32>
        %squeeze3A_186 = vector.extract %slice3A_185[0] : f32 from vector<1xf32>
        %mul3A_187 = vector.broadcast %squeeze3A_186 : f32 to vector<16xf32>
        %mul3A_188 = arith.mulf %mul3A_184, %mul3A_187 : vector<16xf32>
        %add3A_189 = arith.addf %add3A_145, %mul3A_188 : vector<16xf32>
        %add3A_190 = arith.constant 6 : i32
        %add3A_191 = vector.broadcast %add3A_190 : i32 to vector<16xi32>
        %add3A_192 = arith.addi %add3A_124, %add3A_191 : vector<16xi32>
        %gather3A_193 = tpu.vector_load_idx %arg10[%add3A_88, %add3A_192] : memref<128x64xf32, #tpu.memory_space<vmem>>[vector<16xi32>, vector<16xi32>], vector<16xf32>,
        %gather3A_194 = tpu.vector_load_idx %arg12[%add3A_88, %add3A_192] : memref<128x64xf32, #tpu.memory_space<vmem>>[vector<16xi32>, vector<16xi32>], vector<16xf32>,
        %mul3A_195 = arith.mulf %gather3A_193, %gather3A_194 : vector<16xf32>
        %slice3A_196 = vector.extract_strided_slice %get3A_122 {offsets = [6], sizes = [1], strides = [1]} : vector<16xf32> to vector<1xf32>
        %squeeze3A_197 = vector.extract %slice3A_196[0] : f32 from vector<1xf32>
        %mul3A_198 = vector.broadcast %squeeze3A_197 : f32 to vector<16xf32>
        %mul3A_199 = arith.mulf %mul3A_195, %mul3A_198 : vector<16xf32>
        %add3A_200 = arith.addf %add3A_156, %mul3A_199 : vector<16xf32>
        %add3A_201 = arith.constant 7 : i32
        %add3A_202 = vector.broadcast %add3A_201 : i32 to vector<16xi32>
        %add3A_203 = arith.addi %add3A_124, %add3A_202 : vector<16xi32>
        %gather3A_204 = tpu.vector_load_idx %arg10[%add3A_88, %add3A_203] : memref<128x64xf32, #tpu.memory_space<vmem>>[vector<16xi32>, vector<16xi32>], vector<16xf32>,
        %gather3A_205 = tpu.vector_load_idx %arg12[%add3A_88, %add3A_203] : memref<128x64xf32, #tpu.memory_space<vmem>>[vector<16xi32>, vector<16xi32>], vector<16xf32>,
        %mul3A_206 = arith.mulf %gather3A_204, %gather3A_205 : vector<16xf32>
        %slice3A_207 = vector.extract_strided_slice %get3A_122 {offsets = [7], sizes = [1], strides = [1]} : vector<16xf32> to vector<1xf32>
        %squeeze3A_208 = vector.extract %slice3A_207[0] : f32 from vector<1xf32>
        %mul3A_209 = vector.broadcast %squeeze3A_208 : f32 to vector<16xf32>
        %mul3A_210 = arith.mulf %mul3A_206, %mul3A_209 : vector<16xf32>
        %add3A_211 = arith.addf %add3A_167, %mul3A_210 : vector<16xf32>
        %add3A_212 = arith.constant 8 : i32
        %add3A_213 = vector.broadcast %add3A_212 : i32 to vector<16xi32>
        %add3A_214 = arith.addi %add3A_124, %add3A_213 : vector<16xi32>
        %gather3A_215 = tpu.vector_load_idx %arg10[%add3A_88, %add3A_214] : memref<128x64xf32, #tpu.memory_space<vmem>>[vector<16xi32>, vector<16xi32>], vector<16xf32>,
        %gather3A_216 = tpu.vector_load_idx %arg12[%add3A_88, %add3A_214] : memref<128x64xf32, #tpu.memory_space<vmem>>[vector<16xi32>, vector<16xi32>], vector<16xf32>,
        %mul3A_217 = arith.mulf %gather3A_215, %gather3A_216 : vector<16xf32>
        %slice3A_218 = vector.extract_strided_slice %get3A_122 {offsets = [8], sizes = [1], strides = [1]} : vector<16xf32> to vector<1xf32>
        %squeeze3A_219 = vector.extract %slice3A_218[0] : f32 from vector<1xf32>
        %mul3A_220 = vector.broadcast %squeeze3A_219 : f32 to vector<16xf32>
        %mul3A_221 = arith.mulf %mul3A_217, %mul3A_220 : vector<16xf32>
        %add3A_222 = arith.addf %add3A_178, %mul3A_221 : vector<16xf32>
        %add3A_223 = arith.constant 9 : i32
        %add3A_224 = vector.broadcast %add3A_223 : i32 to vector<16xi32>
        %add3A_225 = arith.addi %add3A_124, %add3A_224 : vector<16xi32>
        %gather3A_226 = tpu.vector_load_idx %arg10[%add3A_88, %add3A_225] : memref<128x64xf32, #tpu.memory_space<vmem>>[vector<16xi32>, vector<16xi32>], vector<16xf32>,
        %gather3A_227 = tpu.vector_load_idx %arg12[%add3A_88, %add3A_225] : memref<128x64xf32, #tpu.memory_space<vmem>>[vector<16xi32>, vector<16xi32>], vector<16xf32>,
        %mul3A_228 = arith.mulf %gather3A_226, %gather3A_227 : vector<16xf32>
        %slice3A_229 = vector.extract_strided_slice %get3A_122 {offsets = [9], sizes = [1], strides = [1]} : vector<16xf32> to vector<1xf32>
        %squeeze3A_230 = vector.extract %slice3A_229[0] : f32 from vector<1xf32>
        %mul3A_231 = vector.broadcast %squeeze3A_230 : f32 to vector<16xf32>
        %mul3A_232 = arith.mulf %mul3A_228, %mul3A_231 : vector<16xf32>
        %add3A_233 = arith.addf %add3A_189, %mul3A_232 : vector<16xf32>
        %add3A_234 = arith.constant 10 : i32
        %add3A_235 = vector.broadcast %add3A_234 : i32 to vector<16xi32>
        %add3A_236 = arith.addi %add3A_124, %add3A_235 : vector<16xi32>
        %gather3A_237 = tpu.vector_load_idx %arg10[%add3A_88, %add3A_236] : memref<128x64xf32, #tpu.memory_space<vmem>>[vector<16xi32>, vector<16xi32>], vector<16xf32>,
        %gather3A_238 = tpu.vector_load_idx %arg12[%add3A_88, %add3A_236] : memref<128x64xf32, #tpu.memory_space<vmem>>[vector<16xi32>, vector<16xi32>], vector<16xf32>,
        %mul3A_239 = arith.mulf %gather3A_237, %gather3A_238 : vector<16xf32>
        %slice3A_240 = vector.extract_strided_slice %get3A_122 {offsets = [10], sizes = [1], strides = [1]} : vector<16xf32> to vector<1xf32>
        %squeeze3A_241 = vector.extract %slice3A_240[0] : f32 from vector<1xf32>
        %mul3A_242 = vector.broadcast %squeeze3A_241 : f32 to vector<16xf32>
        %mul3A_243 = arith.mulf %mul3A_239, %mul3A_242 : vector<16xf32>
        %add3A_244 = arith.addf %add3A_200, %mul3A_243 : vector<16xf32>
        %add3A_245 = arith.constant 11 : i32
        %add3A_246 = vector.broadcast %add3A_245 : i32 to vector<16xi32>
        %add3A_247 = arith.addi %add3A_124, %add3A_246 : vector<16xi32>
        %gather3A_248 = tpu.vector_load_idx %arg10[%add3A_88, %add3A_247] : memref<128x64xf32, #tpu.memory_space<vmem>>[vector<16xi32>, vector<16xi32>], vector<16xf32>,
        %gather3A_249 = tpu.vector_load_idx %arg12[%add3A_88, %add3A_247] : memref<128x64xf32, #tpu.memory_space<vmem>>[vector<16xi32>, vector<16xi32>], vector<16xf32>,
        %mul3A_250 = arith.mulf %gather3A_248, %gather3A_249 : vector<16xf32>
        %slice3A_251 = vector.extract_strided_slice %get3A_122 {offsets = [11], sizes = [1], strides = [1]} : vector<16xf32> to vector<1xf32>
        %squeeze3A_252 = vector.extract %slice3A_251[0] : f32 from vector<1xf32>
        %mul3A_253 = vector.broadcast %squeeze3A_252 : f32 to vector<16xf32>
        %mul3A_254 = arith.mulf %mul3A_250, %mul3A_253 : vector<16xf32>
        %add3A_255 = arith.addf %add3A_211, %mul3A_254 : vector<16xf32>
        %add3A_256 = arith.constant 12 : i32
        %add3A_257 = vector.broadcast %add3A_256 : i32 to vector<16xi32>
        %add3A_258 = arith.addi %add3A_124, %add3A_257 : vector<16xi32>
        %gather3A_259 = tpu.vector_load_idx %arg10[%add3A_88, %add3A_258] : memref<128x64xf32, #tpu.memory_space<vmem>>[vector<16xi32>, vector<16xi32>], vector<16xf32>,
        %gather3A_260 = tpu.vector_load_idx %arg12[%add3A_88, %add3A_258] : memref<128x64xf32, #tpu.memory_space<vmem>>[vector<16xi32>, vector<16xi32>], vector<16xf32>,
        %mul3A_261 = arith.mulf %gather3A_259, %gather3A_260 : vector<16xf32>
        %slice3A_262 = vector.extract_strided_slice %get3A_122 {offsets = [12], sizes = [1], strides = [1]} : vector<16xf32> to vector<1xf32>
        %squeeze3A_263 = vector.extract %slice3A_262[0] : f32 from vector<1xf32>
        %mul3A_264 = vector.broadcast %squeeze3A_263 : f32 to vector<16xf32>
        %mul3A_265 = arith.mulf %mul3A_261, %mul3A_264 : vector<16xf32>
        %add3A_266 = arith.addf %add3A_222, %mul3A_265 : vector<16xf32>
        %add3A_267 = arith.constant 13 : i32
        %add3A_268 = vector.broadcast %add3A_267 : i32 to vector<16xi32>
        %add3A_269 = arith.addi %add3A_124, %add3A_268 : vector<16xi32>
        %gather3A_270 = tpu.vector_load_idx %arg10[%add3A_88, %add3A_269] : memref<128x64xf32, #tpu.memory_space<vmem>>[vector<16xi32>, vector<16xi32>], vector<16xf32>,
        %gather3A_271 = tpu.vector_load_idx %arg12[%add3A_88, %add3A_269] : memref<128x64xf32, #tpu.memory_space<vmem>>[vector<16xi32>, vector<16xi32>], vector<16xf32>,
        %mul3A_272 = arith.mulf %gather3A_270, %gather3A_271 : vector<16xf32>
        %slice3A_273 = vector.extract_strided_slice %get3A_122 {offsets = [13], sizes = [1], strides = [1]} : vector<16xf32> to vector<1xf32>
        %squeeze3A_274 = vector.extract %slice3A_273[0] : f32 from vector<1xf32>
        %mul3A_275 = vector.broadcast %squeeze3A_274 : f32 to vector<16xf32>
        %mul3A_276 = arith.mulf %mul3A_272, %mul3A_275 : vector<16xf32>
        %add3A_277 = arith.addf %add3A_233, %mul3A_276 : vector<16xf32>
        %add3A_278 = arith.constant 14 : i32
        %add3A_279 = vector.broadcast %add3A_278 : i32 to vector<16xi32>
        %add3A_280 = arith.addi %add3A_124, %add3A_279 : vector<16xi32>
        %gather3A_281 = tpu.vector_load_idx %arg10[%add3A_88, %add3A_280] : memref<128x64xf32, #tpu.memory_space<vmem>>[vector<16xi32>, vector<16xi32>], vector<16xf32>,
        %gather3A_282 = tpu.vector_load_idx %arg12[%add3A_88, %add3A_280] : memref<128x64xf32, #tpu.memory_space<vmem>>[vector<16xi32>, vector<16xi32>], vector<16xf32>,
        %mul3A_283 = arith.mulf %gather3A_281, %gather3A_282 : vector<16xf32>
        %slice3A_284 = vector.extract_strided_slice %get3A_122 {offsets = [14], sizes = [1], strides = [1]} : vector<16xf32> to vector<1xf32>
        %squeeze3A_285 = vector.extract %slice3A_284[0] : f32 from vector<1xf32>
        %mul3A_286 = vector.broadcast %squeeze3A_285 : f32 to vector<16xf32>
        %mul3A_287 = arith.mulf %mul3A_283, %mul3A_286 : vector<16xf32>
        %add3A_288 = arith.addf %add3A_244, %mul3A_287 : vector<16xf32>
        %add3A_289 = arith.constant 15 : i32
        %add3A_290 = vector.broadcast %add3A_289 : i32 to vector<16xi32>
        %add3A_291 = arith.addi %add3A_124, %add3A_290 : vector<16xi32>
        %gather3A_292 = tpu.vector_load_idx %arg10[%add3A_88, %add3A_291] : memref<128x64xf32, #tpu.memory_space<vmem>>[vector<16xi32>, vector<16xi32>], vector<16xf32>,
        %gather3A_293 = tpu.vector_load_idx %arg12[%add3A_88, %add3A_291] : memref<128x64xf32, #tpu.memory_space<vmem>>[vector<16xi32>, vector<16xi32>], vector<16xf32>,
        %mul3A_294 = arith.mulf %gather3A_292, %gather3A_293 : vector<16xf32>
        %slice3A_295 = vector.extract_strided_slice %get3A_122 {offsets = [15], sizes = [1], strides = [1]} : vector<16xf32> to vector<1xf32>
        %squeeze3A_296 = vector.extract %slice3A_295[0] : f32 from vector<1xf32>
        %mul3A_297 = vector.broadcast %squeeze3A_296 : f32 to vector<16xf32>
        %mul3A_298 = arith.mulf %mul3A_294, %mul3A_297 : vector<16xf32>
        %add3A_299 = arith.addf %add3A_255, %mul3A_298 : vector<16xf32>
        scf.yield %add3A_266, %add3A_277, %add3A_288, %add3A_299 : vector<16xf32>, vector<16xf32>, vector<16xf32>, vector<16xf32>
      }
      %scan3A_104 = arith.constant 4 : i32
      %add3A_105 = arith.addf %scan3A_103#0, %scan3A_103#1 : vector<16xf32>
      %add3A_106 = arith.addf %scan3A_103#2, %scan3A_103#3 : vector<16xf32>
      %add3A_107 = arith.addf %add3A_105, %add3A_106 : vector<16xf32>
      %mul3A_108 = arith.constant 16 : i32
      %mul3A_109 = arith.muli %scan3A_84, %mul3A_108 : i32
      %add3A_110 = arith.constant 0 : i32
      %add3A_111 = arith.addi %add3A_110, %mul3A_109 : i32
      %multiple_of3A = tpu.assume_multiple %add3A_111, 16 : i32
      %swap3A = arith.index_cast %multiple_of3A : i32 to index
      %swap3A_112 = tpu.vector_load %arg15[%swap3A] {strides = array<i32>} : memref<512xf32, #tpu.memory_space<vmem>>, vector<16xf32>,
      tpu.vector_store %arg15[%swap3A], %add3A_107 {strides = array<i32>} : memref<512xf32, #tpu.memory_space<vmem>>, vector<16xf32>,
    }
    %scan3A_35 = arith.constant 8 : i32
    %scan3A_36 = arith.constant 0 : i32
    %scan3A_37 = arith.constant 0 : i32
    %scan3A_38 = arith.constant 128 : i32
    %scan3A_39 = arith.addi %scan3A_37, %scan3A_38 : i32
    %scan3A_40 = arith.constant 1 : i32
    scf.for %scan3A_84 = %scan3A_37 to %scan3A_39 step %scan3A_40  : i32 {
      %add3A_85 = arith.constant 256 : i32
      %add3A_86 = arith.addi %scan3A_84, %add3A_85 : i32
      %broadcast_in_dim3A_87 = arith.constant 0 : i32
      %broadcast_in_dim3A_88 = vector.broadcast %broadcast_in_dim3A_87 : i32 to vector<16xi32>
      %add3A_89 = vector.broadcast %add3A_86 : i32 to vector<16xi32>
      %add3A_90 = arith.addi %broadcast_in_dim3A_88, %add3A_89 : vector<16xi32>
      %gather3A = tpu.vector_load_idx %arg8[%add3A_90] : memref<512xi32, #tpu.memory_space<vmem>>[vector<16xi32>], vector<16xi32>,
      %slice3A_91 = vector.extract_strided_slice %gather3A {offsets = [0], sizes = [1], strides = [1]} : vector<16xi32> to vector<1xi32>
      %squeeze3A_92 = vector.extract %slice3A_91[0] : i32 from vector<1xi32>
      %gather3A_93 = tpu.vector_load_idx %arg9[%add3A_90] : memref<512xi32, #tpu.memory_space<vmem>>[vector<16xi32>], vector<16xi32>,
      %slice3A_94 = vector.extract_strided_slice %gather3A_93 {offsets = [0], sizes = [1], strides = [1]} : vector<16xi32> to vector<1xi32>
      %squeeze3A_95 = vector.extract %slice3A_94[0] : i32 from vector<1xi32>
      %dma_start3A = arith.constant 0 : i32
      %dma_start3A_96 = tpu.memref_slice %arg10[%scan3A_84, %dma_start3A] : memref<128x64xf32, #tpu.memory_space<vmem>> -> memref<1x64xf32, #tpu.memory_space<vmem>>
      %dma_start3A_97 = tpu.memref_squeeze %dma_start3A_96 : memref<1x64xf32, #tpu.memory_space<vmem>> -> memref<64xf32, #tpu.memory_space<vmem>>
      %dma_start3A_98 = arith.constant 0 : i32
      %dma_start3A_99 = tpu.memref_slice %arg4[%squeeze3A_92, %dma_start3A_98] : memref<1000000x64xf32, #tpu.memory_space<hbm>> -> memref<1x64xf32, #tpu.memory_space<hbm>>
      %dma_start3A_100 = tpu.memref_squeeze %dma_start3A_99 : memref<1x64xf32, #tpu.memory_space<hbm>> -> memref<64xf32, #tpu.memory_space<hbm>>
      %dma_start3A_101 = arith.constant 0 : i32
      %dma_start3A_102 = tpu.memref_slice %arg10[%scan3A_84, %dma_start3A_101] : memref<128x64xf32, #tpu.memory_space<vmem>> -> memref<1x64xf32, #tpu.memory_space<vmem>>
      %dma_start3A_103 = tpu.memref_squeeze %dma_start3A_102 : memref<1x64xf32, #tpu.memory_space<vmem>> -> memref<64xf32, #tpu.memory_space<vmem>>
      %dma_start3A_104 = arith.constant 0 : i32
      %dma_start3A_105 = tpu.memref_slice %arg4[%squeeze3A_92, %dma_start3A_104] : memref<1000000x64xf32, #tpu.memory_space<hbm>> -> memref<1x64xf32, #tpu.memory_space<hbm>>
      %dma_start3A_106 = tpu.memref_squeeze %dma_start3A_105 : memref<1x64xf32, #tpu.memory_space<hbm>> -> memref<64xf32, #tpu.memory_space<hbm>>
      tpu.enqueue_dma source(%dma_start3A_106 : memref<64xf32, #tpu.memory_space<hbm>>) target(%dma_start3A_103 : memref<64xf32, #tpu.memory_space<vmem>>) target_semaphore(%arg16 : memref<!tpu.dma_semaphore, #tpu.memory_space<semaphore_mem>>)
      %dma_start3A_107 = arith.constant 0 : i32
      %dma_start3A_108 = tpu.memref_slice %arg12[%scan3A_84, %dma_start3A_107] : memref<128x64xf32, #tpu.memory_space<vmem>> -> memref<1x64xf32, #tpu.memory_space<vmem>>
      %dma_start3A_109 = tpu.memref_squeeze %dma_start3A_108 : memref<1x64xf32, #tpu.memory_space<vmem>> -> memref<64xf32, #tpu.memory_space<vmem>>
      %dma_start3A_110 = arith.constant 0 : i32
      %dma_start3A_111 = tpu.memref_slice %arg5[%squeeze3A_95, %dma_start3A_110] : memref<100000x64xf32, #tpu.memory_space<hbm>> -> memref<1x64xf32, #tpu.memory_space<hbm>>
      %dma_start3A_112 = tpu.memref_squeeze %dma_start3A_111 : memref<1x64xf32, #tpu.memory_space<hbm>> -> memref<64xf32, #tpu.memory_space<hbm>>
      %dma_start3A_113 = arith.constant 0 : i32
      %dma_start3A_114 = tpu.memref_slice %arg12[%scan3A_84, %dma_start3A_113] : memref<128x64xf32, #tpu.memory_space<vmem>> -> memref<1x64xf32, #tpu.memory_space<vmem>>
      %dma_start3A_115 = tpu.memref_squeeze %dma_start3A_114 : memref<1x64xf32, #tpu.memory_space<vmem>> -> memref<64xf32, #tpu.memory_space<vmem>>
      %dma_start3A_116 = arith.constant 0 : i32
      %dma_start3A_117 = tpu.memref_slice %arg5[%squeeze3A_95, %dma_start3A_116] : memref<100000x64xf32, #tpu.memory_space<hbm>> -> memref<1x64xf32, #tpu.memory_space<hbm>>
      %dma_start3A_118 = tpu.memref_squeeze %dma_start3A_117 : memref<1x64xf32, #tpu.memory_space<hbm>> -> memref<64xf32, #tpu.memory_space<hbm>>
      tpu.enqueue_dma source(%dma_start3A_118 : memref<64xf32, #tpu.memory_space<hbm>>) target(%dma_start3A_115 : memref<64xf32, #tpu.memory_space<vmem>>) target_semaphore(%arg18 : memref<!tpu.dma_semaphore, #tpu.memory_space<semaphore_mem>>)
    }
    %scan3A_41 = arith.constant 128 : i32
    %scan3A_42 = arith.constant 0 : i32
    %scan3A_43 = arith.constant 0 : i32
    %scan3A_44 = arith.constant 128 : i32
    %scan3A_45 = arith.addi %scan3A_43, %scan3A_44 : i32
    %scan3A_46 = arith.constant 1 : i32
    scf.for %scan3A_84 = %scan3A_43 to %scan3A_45 step %scan3A_46  : i32 {
      %dma_wait3A = arith.constant 0 : i32
      %dma_wait3A_85 = arith.constant 0 : i32
      %dma_wait3A_86 = arith.constant 0 : i32
      %dma_wait3A_87 = tpu.memref_slice %arg11[%dma_wait3A_85, %dma_wait3A_86] : memref<128x64xf32, #tpu.memory_space<vmem>> -> memref<1x64xf32, #tpu.memory_space<vmem>>
      %dma_wait3A_88 = tpu.memref_squeeze %dma_wait3A_87 : memref<1x64xf32, #tpu.memory_space<vmem>> -> memref<64xf32, #tpu.memory_space<vmem>>
      %dma_wait3A_89 = arith.constant 0 : i32
      %dma_wait3A_90 = tpu.memref_slice %arg4[%dma_wait3A, %dma_wait3A_89] : memref<1000000x64xf32, #tpu.memory_space<hbm>> -> memref<1x64xf32, #tpu.memory_space<hbm>>
      %dma_wait3A_91 = tpu.memref_squeeze %dma_wait3A_90 : memref<1x64xf32, #tpu.memory_space<hbm>> -> memref<64xf32, #tpu.memory_space<hbm>>
      %dma_wait3A_92 = arith.constant 0 : i32
      %dma_wait3A_93 = tpu.memref_slice %arg11[%dma_wait3A_85, %dma_wait3A_92] : memref<128x64xf32, #tpu.memory_space<vmem>> -> memref<1x64xf32, #tpu.memory_space<vmem>>
      %dma_wait3A_94 = tpu.memref_squeeze %dma_wait3A_93 : memref<1x64xf32, #tpu.memory_space<vmem>> -> memref<64xf32, #tpu.memory_space<vmem>>
      %dma_wait3A_95 = arith.constant 0 : i32
      %dma_wait3A_96 = tpu.memref_slice %arg4[%dma_wait3A, %dma_wait3A_95] : memref<1000000x64xf32, #tpu.memory_space<hbm>> -> memref<1x64xf32, #tpu.memory_space<hbm>>
      %dma_wait3A_97 = tpu.memref_squeeze %dma_wait3A_96 : memref<1x64xf32, #tpu.memory_space<hbm>> -> memref<64xf32, #tpu.memory_space<hbm>>
      tpu.wait_dma2 semaphore(%arg17 : memref<!tpu.dma_semaphore, #tpu.memory_space<semaphore_mem>>) src(%dma_wait3A_97 : memref<64xf32, #tpu.memory_space<hbm>>) dst(%dma_wait3A_94 : memref<64xf32, #tpu.memory_space<vmem>>)
      %dma_wait3A_98 = arith.constant 0 : i32
      %dma_wait3A_99 = arith.constant 0 : i32
      %dma_wait3A_100 = arith.constant 0 : i32
      %dma_wait3A_101 = tpu.memref_slice %arg13[%dma_wait3A_99, %dma_wait3A_100] : memref<128x64xf32, #tpu.memory_space<vmem>> -> memref<1x64xf32, #tpu.memory_space<vmem>>
      %dma_wait3A_102 = tpu.memref_squeeze %dma_wait3A_101 : memref<1x64xf32, #tpu.memory_space<vmem>> -> memref<64xf32, #tpu.memory_space<vmem>>
      %dma_wait3A_103 = arith.constant 0 : i32
      %dma_wait3A_104 = tpu.memref_slice %arg5[%dma_wait3A_98, %dma_wait3A_103] : memref<100000x64xf32, #tpu.memory_space<hbm>> -> memref<1x64xf32, #tpu.memory_space<hbm>>
      %dma_wait3A_105 = tpu.memref_squeeze %dma_wait3A_104 : memref<1x64xf32, #tpu.memory_space<hbm>> -> memref<64xf32, #tpu.memory_space<hbm>>
      %dma_wait3A_106 = arith.constant 0 : i32
      %dma_wait3A_107 = tpu.memref_slice %arg13[%dma_wait3A_99, %dma_wait3A_106] : memref<128x64xf32, #tpu.memory_space<vmem>> -> memref<1x64xf32, #tpu.memory_space<vmem>>
      %dma_wait3A_108 = tpu.memref_squeeze %dma_wait3A_107 : memref<1x64xf32, #tpu.memory_space<vmem>> -> memref<64xf32, #tpu.memory_space<vmem>>
      %dma_wait3A_109 = arith.constant 0 : i32
      %dma_wait3A_110 = tpu.memref_slice %arg5[%dma_wait3A_98, %dma_wait3A_109] : memref<100000x64xf32, #tpu.memory_space<hbm>> -> memref<1x64xf32, #tpu.memory_space<hbm>>
      %dma_wait3A_111 = tpu.memref_squeeze %dma_wait3A_110 : memref<1x64xf32, #tpu.memory_space<hbm>> -> memref<64xf32, #tpu.memory_space<hbm>>
      tpu.wait_dma2 semaphore(%arg19 : memref<!tpu.dma_semaphore, #tpu.memory_space<semaphore_mem>>) src(%dma_wait3A_111 : memref<64xf32, #tpu.memory_space<hbm>>) dst(%dma_wait3A_108 : memref<64xf32, #tpu.memory_space<vmem>>)
    }
    %scan3A_47 = arith.constant 128 : i32
    %scan3A_48 = arith.constant 0 : i32
    %scan3A_49 = arith.constant 0 : i32
    %scan3A_50 = arith.constant 8 : i32
    %scan3A_51 = arith.addi %scan3A_49, %scan3A_50 : i32
    %scan3A_52 = arith.constant 1 : i32
    scf.for %scan3A_84 = %scan3A_49 to %scan3A_51 step %scan3A_52  : i32 {
      %mul3A_85 = arith.constant 16 : i32
      %mul3A_86 = arith.muli %scan3A_84, %mul3A_85 : i32
      %add3A_87 = vector.broadcast %mul3A_86 : i32 to vector<16xi32>
      %add3A_88 = arith.addi %add3A_87, %iota3A : vector<16xi32>
      %broadcast_in_dim3A_89 = arith.constant 0.000000e+00 : f32
      %broadcast_in_dim3A_90 = vector.broadcast %broadcast_in_dim3A_89 : f32 to vector<16xf32>
      %add3A_91 = vector.broadcast %squeeze3A : f32 to vector<16xf32>
      %add3A_92 = arith.addf %broadcast_in_dim3A_90, %add3A_91 : vector<16xf32>
      %broadcast_in_dim3A_93 = arith.constant 0.000000e+00 : f32
      %broadcast_in_dim3A_94 = vector.broadcast %broadcast_in_dim3A_93 : f32 to vector<16xf32>
      %broadcast_in_dim3A_95 = arith.constant 0.000000e+00 : f32
      %broadcast_in_dim3A_96 = vector.broadcast %broadcast_in_dim3A_95 : f32 to vector<16xf32>
      %broadcast_in_dim3A_97 = arith.constant 0.000000e+00 : f32
      %broadcast_in_dim3A_98 = vector.broadcast %broadcast_in_dim3A_97 : f32 to vector<16xf32>
      %scan3A_99 = arith.constant 0 : i32
      %scan3A_100 = arith.constant 4 : i32
      %scan3A_101 = arith.addi %scan3A_99, %scan3A_100 : i32
      %scan3A_102 = arith.constant 1 : i32
      %scan3A_103:4 = scf.for %scan3A_113 = %scan3A_99 to %scan3A_101 step %scan3A_102 iter_args(%scan3A_114 = %add3A_92, %scan3A_115 = %broadcast_in_dim3A_94, %scan3A_116 = %broadcast_in_dim3A_96, %scan3A_117 = %broadcast_in_dim3A_98) -> (vector<16xf32>, vector<16xf32>, vector<16xf32>, vector<16xf32>)  : i32 {
        %mul3A_118 = arith.constant 16 : i32
        %mul3A_119 = arith.muli %scan3A_113, %mul3A_118 : i32
        %multiple_of3A_120 = tpu.assume_multiple %mul3A_119, 16 : i32
        %get3A_121 = arith.index_cast %multiple_of3A_120 : i32 to index
        %get3A_122 = tpu.vector_load %arg14[%get3A_121] {strides = array<i32>} : memref<80xf32, #tpu.memory_space<vmem>>, vector<16xf32>,
        %add3A_123 = vector.broadcast %mul3A_119 : i32 to vector<16xi32>
        %add3A_124 = arith.addi %broadcast_in_dim3A_12, %add3A_123 : vector<16xi32>
        %add3A_125 = arith.constant 0 : i32
        %add3A_126 = vector.broadcast %add3A_125 : i32 to vector<16xi32>
        %add3A_127 = arith.addi %add3A_124, %add3A_126 : vector<16xi32>
        %gather3A = tpu.vector_load_idx %arg11[%add3A_88, %add3A_127] : memref<128x64xf32, #tpu.memory_space<vmem>>[vector<16xi32>, vector<16xi32>], vector<16xf32>,
        %gather3A_128 = tpu.vector_load_idx %arg13[%add3A_88, %add3A_127] : memref<128x64xf32, #tpu.memory_space<vmem>>[vector<16xi32>, vector<16xi32>], vector<16xf32>,
        %mul3A_129 = arith.mulf %gather3A, %gather3A_128 : vector<16xf32>
        %slice3A_130 = vector.extract_strided_slice %get3A_122 {offsets = [0], sizes = [1], strides = [1]} : vector<16xf32> to vector<1xf32>
        %squeeze3A_131 = vector.extract %slice3A_130[0] : f32 from vector<1xf32>
        %mul3A_132 = vector.broadcast %squeeze3A_131 : f32 to vector<16xf32>
        %mul3A_133 = arith.mulf %mul3A_129, %mul3A_132 : vector<16xf32>
        %add3A_134 = arith.addf %scan3A_114, %mul3A_133 : vector<16xf32>
        %add3A_135 = arith.constant 1 : i32
        %add3A_136 = vector.broadcast %add3A_135 : i32 to vector<16xi32>
        %add3A_137 = arith.addi %add3A_124, %add3A_136 : vector<16xi32>
        %gather3A_138 = tpu.vector_load_idx %arg11[%add3A_88, %add3A_137] : memref<128x64xf32, #tpu.memory_space<vmem>>[vector<16xi32>, vector<16xi32>], vector<16xf32>,
        %gather3A_139 = tpu.vector_load_idx %arg13[%add3A_88, %add3A_137] : memref<128x64xf32, #tpu.memory_space<vmem>>[vector<16xi32>, vector<16xi32>], vector<16xf32>,
        %mul3A_140 = arith.mulf %gather3A_138, %gather3A_139 : vector<16xf32>
        %slice3A_141 = vector.extract_strided_slice %get3A_122 {offsets = [1], sizes = [1], strides = [1]} : vector<16xf32> to vector<1xf32>
        %squeeze3A_142 = vector.extract %slice3A_141[0] : f32 from vector<1xf32>
        %mul3A_143 = vector.broadcast %squeeze3A_142 : f32 to vector<16xf32>
        %mul3A_144 = arith.mulf %mul3A_140, %mul3A_143 : vector<16xf32>
        %add3A_145 = arith.addf %scan3A_115, %mul3A_144 : vector<16xf32>
        %add3A_146 = arith.constant 2 : i32
        %add3A_147 = vector.broadcast %add3A_146 : i32 to vector<16xi32>
        %add3A_148 = arith.addi %add3A_124, %add3A_147 : vector<16xi32>
        %gather3A_149 = tpu.vector_load_idx %arg11[%add3A_88, %add3A_148] : memref<128x64xf32, #tpu.memory_space<vmem>>[vector<16xi32>, vector<16xi32>], vector<16xf32>,
        %gather3A_150 = tpu.vector_load_idx %arg13[%add3A_88, %add3A_148] : memref<128x64xf32, #tpu.memory_space<vmem>>[vector<16xi32>, vector<16xi32>], vector<16xf32>,
        %mul3A_151 = arith.mulf %gather3A_149, %gather3A_150 : vector<16xf32>
        %slice3A_152 = vector.extract_strided_slice %get3A_122 {offsets = [2], sizes = [1], strides = [1]} : vector<16xf32> to vector<1xf32>
        %squeeze3A_153 = vector.extract %slice3A_152[0] : f32 from vector<1xf32>
        %mul3A_154 = vector.broadcast %squeeze3A_153 : f32 to vector<16xf32>
        %mul3A_155 = arith.mulf %mul3A_151, %mul3A_154 : vector<16xf32>
        %add3A_156 = arith.addf %scan3A_116, %mul3A_155 : vector<16xf32>
        %add3A_157 = arith.constant 3 : i32
        %add3A_158 = vector.broadcast %add3A_157 : i32 to vector<16xi32>
        %add3A_159 = arith.addi %add3A_124, %add3A_158 : vector<16xi32>
        %gather3A_160 = tpu.vector_load_idx %arg11[%add3A_88, %add3A_159] : memref<128x64xf32, #tpu.memory_space<vmem>>[vector<16xi32>, vector<16xi32>], vector<16xf32>,
        %gather3A_161 = tpu.vector_load_idx %arg13[%add3A_88, %add3A_159] : memref<128x64xf32, #tpu.memory_space<vmem>>[vector<16xi32>, vector<16xi32>], vector<16xf32>,
        %mul3A_162 = arith.mulf %gather3A_160, %gather3A_161 : vector<16xf32>
        %slice3A_163 = vector.extract_strided_slice %get3A_122 {offsets = [3], sizes = [1], strides = [1]} : vector<16xf32> to vector<1xf32>
        %squeeze3A_164 = vector.extract %slice3A_163[0] : f32 from vector<1xf32>
        %mul3A_165 = vector.broadcast %squeeze3A_164 : f32 to vector<16xf32>
        %mul3A_166 = arith.mulf %mul3A_162, %mul3A_165 : vector<16xf32>
        %add3A_167 = arith.addf %scan3A_117, %mul3A_166 : vector<16xf32>
        %add3A_168 = arith.constant 4 : i32
        %add3A_169 = vector.broadcast %add3A_168 : i32 to vector<16xi32>
        %add3A_170 = arith.addi %add3A_124, %add3A_169 : vector<16xi32>
        %gather3A_171 = tpu.vector_load_idx %arg11[%add3A_88, %add3A_170] : memref<128x64xf32, #tpu.memory_space<vmem>>[vector<16xi32>, vector<16xi32>], vector<16xf32>,
        %gather3A_172 = tpu.vector_load_idx %arg13[%add3A_88, %add3A_170] : memref<128x64xf32, #tpu.memory_space<vmem>>[vector<16xi32>, vector<16xi32>], vector<16xf32>,
        %mul3A_173 = arith.mulf %gather3A_171, %gather3A_172 : vector<16xf32>
        %slice3A_174 = vector.extract_strided_slice %get3A_122 {offsets = [4], sizes = [1], strides = [1]} : vector<16xf32> to vector<1xf32>
        %squeeze3A_175 = vector.extract %slice3A_174[0] : f32 from vector<1xf32>
        %mul3A_176 = vector.broadcast %squeeze3A_175 : f32 to vector<16xf32>
        %mul3A_177 = arith.mulf %mul3A_173, %mul3A_176 : vector<16xf32>
        %add3A_178 = arith.addf %add3A_134, %mul3A_177 : vector<16xf32>
        %add3A_179 = arith.constant 5 : i32
        %add3A_180 = vector.broadcast %add3A_179 : i32 to vector<16xi32>
        %add3A_181 = arith.addi %add3A_124, %add3A_180 : vector<16xi32>
        %gather3A_182 = tpu.vector_load_idx %arg11[%add3A_88, %add3A_181] : memref<128x64xf32, #tpu.memory_space<vmem>>[vector<16xi32>, vector<16xi32>], vector<16xf32>,
        %gather3A_183 = tpu.vector_load_idx %arg13[%add3A_88, %add3A_181] : memref<128x64xf32, #tpu.memory_space<vmem>>[vector<16xi32>, vector<16xi32>], vector<16xf32>,
        %mul3A_184 = arith.mulf %gather3A_182, %gather3A_183 : vector<16xf32>
        %slice3A_185 = vector.extract_strided_slice %get3A_122 {offsets = [5], sizes = [1], strides = [1]} : vector<16xf32> to vector<1xf32>
        %squeeze3A_186 = vector.extract %slice3A_185[0] : f32 from vector<1xf32>
        %mul3A_187 = vector.broadcast %squeeze3A_186 : f32 to vector<16xf32>
        %mul3A_188 = arith.mulf %mul3A_184, %mul3A_187 : vector<16xf32>
        %add3A_189 = arith.addf %add3A_145, %mul3A_188 : vector<16xf32>
        %add3A_190 = arith.constant 6 : i32
        %add3A_191 = vector.broadcast %add3A_190 : i32 to vector<16xi32>
        %add3A_192 = arith.addi %add3A_124, %add3A_191 : vector<16xi32>
        %gather3A_193 = tpu.vector_load_idx %arg11[%add3A_88, %add3A_192] : memref<128x64xf32, #tpu.memory_space<vmem>>[vector<16xi32>, vector<16xi32>], vector<16xf32>,
        %gather3A_194 = tpu.vector_load_idx %arg13[%add3A_88, %add3A_192] : memref<128x64xf32, #tpu.memory_space<vmem>>[vector<16xi32>, vector<16xi32>], vector<16xf32>,
        %mul3A_195 = arith.mulf %gather3A_193, %gather3A_194 : vector<16xf32>
        %slice3A_196 = vector.extract_strided_slice %get3A_122 {offsets = [6], sizes = [1], strides = [1]} : vector<16xf32> to vector<1xf32>
        %squeeze3A_197 = vector.extract %slice3A_196[0] : f32 from vector<1xf32>
        %mul3A_198 = vector.broadcast %squeeze3A_197 : f32 to vector<16xf32>
        %mul3A_199 = arith.mulf %mul3A_195, %mul3A_198 : vector<16xf32>
        %add3A_200 = arith.addf %add3A_156, %mul3A_199 : vector<16xf32>
        %add3A_201 = arith.constant 7 : i32
        %add3A_202 = vector.broadcast %add3A_201 : i32 to vector<16xi32>
        %add3A_203 = arith.addi %add3A_124, %add3A_202 : vector<16xi32>
        %gather3A_204 = tpu.vector_load_idx %arg11[%add3A_88, %add3A_203] : memref<128x64xf32, #tpu.memory_space<vmem>>[vector<16xi32>, vector<16xi32>], vector<16xf32>,
        %gather3A_205 = tpu.vector_load_idx %arg13[%add3A_88, %add3A_203] : memref<128x64xf32, #tpu.memory_space<vmem>>[vector<16xi32>, vector<16xi32>], vector<16xf32>,
        %mul3A_206 = arith.mulf %gather3A_204, %gather3A_205 : vector<16xf32>
        %slice3A_207 = vector.extract_strided_slice %get3A_122 {offsets = [7], sizes = [1], strides = [1]} : vector<16xf32> to vector<1xf32>
        %squeeze3A_208 = vector.extract %slice3A_207[0] : f32 from vector<1xf32>
        %mul3A_209 = vector.broadcast %squeeze3A_208 : f32 to vector<16xf32>
        %mul3A_210 = arith.mulf %mul3A_206, %mul3A_209 : vector<16xf32>
        %add3A_211 = arith.addf %add3A_167, %mul3A_210 : vector<16xf32>
        %add3A_212 = arith.constant 8 : i32
        %add3A_213 = vector.broadcast %add3A_212 : i32 to vector<16xi32>
        %add3A_214 = arith.addi %add3A_124, %add3A_213 : vector<16xi32>
        %gather3A_215 = tpu.vector_load_idx %arg11[%add3A_88, %add3A_214] : memref<128x64xf32, #tpu.memory_space<vmem>>[vector<16xi32>, vector<16xi32>], vector<16xf32>,
        %gather3A_216 = tpu.vector_load_idx %arg13[%add3A_88, %add3A_214] : memref<128x64xf32, #tpu.memory_space<vmem>>[vector<16xi32>, vector<16xi32>], vector<16xf32>,
        %mul3A_217 = arith.mulf %gather3A_215, %gather3A_216 : vector<16xf32>
        %slice3A_218 = vector.extract_strided_slice %get3A_122 {offsets = [8], sizes = [1], strides = [1]} : vector<16xf32> to vector<1xf32>
        %squeeze3A_219 = vector.extract %slice3A_218[0] : f32 from vector<1xf32>
        %mul3A_220 = vector.broadcast %squeeze3A_219 : f32 to vector<16xf32>
        %mul3A_221 = arith.mulf %mul3A_217, %mul3A_220 : vector<16xf32>
        %add3A_222 = arith.addf %add3A_178, %mul3A_221 : vector<16xf32>
        %add3A_223 = arith.constant 9 : i32
        %add3A_224 = vector.broadcast %add3A_223 : i32 to vector<16xi32>
        %add3A_225 = arith.addi %add3A_124, %add3A_224 : vector<16xi32>
        %gather3A_226 = tpu.vector_load_idx %arg11[%add3A_88, %add3A_225] : memref<128x64xf32, #tpu.memory_space<vmem>>[vector<16xi32>, vector<16xi32>], vector<16xf32>,
        %gather3A_227 = tpu.vector_load_idx %arg13[%add3A_88, %add3A_225] : memref<128x64xf32, #tpu.memory_space<vmem>>[vector<16xi32>, vector<16xi32>], vector<16xf32>,
        %mul3A_228 = arith.mulf %gather3A_226, %gather3A_227 : vector<16xf32>
        %slice3A_229 = vector.extract_strided_slice %get3A_122 {offsets = [9], sizes = [1], strides = [1]} : vector<16xf32> to vector<1xf32>
        %squeeze3A_230 = vector.extract %slice3A_229[0] : f32 from vector<1xf32>
        %mul3A_231 = vector.broadcast %squeeze3A_230 : f32 to vector<16xf32>
        %mul3A_232 = arith.mulf %mul3A_228, %mul3A_231 : vector<16xf32>
        %add3A_233 = arith.addf %add3A_189, %mul3A_232 : vector<16xf32>
        %add3A_234 = arith.constant 10 : i32
        %add3A_235 = vector.broadcast %add3A_234 : i32 to vector<16xi32>
        %add3A_236 = arith.addi %add3A_124, %add3A_235 : vector<16xi32>
        %gather3A_237 = tpu.vector_load_idx %arg11[%add3A_88, %add3A_236] : memref<128x64xf32, #tpu.memory_space<vmem>>[vector<16xi32>, vector<16xi32>], vector<16xf32>,
        %gather3A_238 = tpu.vector_load_idx %arg13[%add3A_88, %add3A_236] : memref<128x64xf32, #tpu.memory_space<vmem>>[vector<16xi32>, vector<16xi32>], vector<16xf32>,
        %mul3A_239 = arith.mulf %gather3A_237, %gather3A_238 : vector<16xf32>
        %slice3A_240 = vector.extract_strided_slice %get3A_122 {offsets = [10], sizes = [1], strides = [1]} : vector<16xf32> to vector<1xf32>
        %squeeze3A_241 = vector.extract %slice3A_240[0] : f32 from vector<1xf32>
        %mul3A_242 = vector.broadcast %squeeze3A_241 : f32 to vector<16xf32>
        %mul3A_243 = arith.mulf %mul3A_239, %mul3A_242 : vector<16xf32>
        %add3A_244 = arith.addf %add3A_200, %mul3A_243 : vector<16xf32>
        %add3A_245 = arith.constant 11 : i32
        %add3A_246 = vector.broadcast %add3A_245 : i32 to vector<16xi32>
        %add3A_247 = arith.addi %add3A_124, %add3A_246 : vector<16xi32>
        %gather3A_248 = tpu.vector_load_idx %arg11[%add3A_88, %add3A_247] : memref<128x64xf32, #tpu.memory_space<vmem>>[vector<16xi32>, vector<16xi32>], vector<16xf32>,
        %gather3A_249 = tpu.vector_load_idx %arg13[%add3A_88, %add3A_247] : memref<128x64xf32, #tpu.memory_space<vmem>>[vector<16xi32>, vector<16xi32>], vector<16xf32>,
        %mul3A_250 = arith.mulf %gather3A_248, %gather3A_249 : vector<16xf32>
        %slice3A_251 = vector.extract_strided_slice %get3A_122 {offsets = [11], sizes = [1], strides = [1]} : vector<16xf32> to vector<1xf32>
        %squeeze3A_252 = vector.extract %slice3A_251[0] : f32 from vector<1xf32>
        %mul3A_253 = vector.broadcast %squeeze3A_252 : f32 to vector<16xf32>
        %mul3A_254 = arith.mulf %mul3A_250, %mul3A_253 : vector<16xf32>
        %add3A_255 = arith.addf %add3A_211, %mul3A_254 : vector<16xf32>
        %add3A_256 = arith.constant 12 : i32
        %add3A_257 = vector.broadcast %add3A_256 : i32 to vector<16xi32>
        %add3A_258 = arith.addi %add3A_124, %add3A_257 : vector<16xi32>
        %gather3A_259 = tpu.vector_load_idx %arg11[%add3A_88, %add3A_258] : memref<128x64xf32, #tpu.memory_space<vmem>>[vector<16xi32>, vector<16xi32>], vector<16xf32>,
        %gather3A_260 = tpu.vector_load_idx %arg13[%add3A_88, %add3A_258] : memref<128x64xf32, #tpu.memory_space<vmem>>[vector<16xi32>, vector<16xi32>], vector<16xf32>,
        %mul3A_261 = arith.mulf %gather3A_259, %gather3A_260 : vector<16xf32>
        %slice3A_262 = vector.extract_strided_slice %get3A_122 {offsets = [12], sizes = [1], strides = [1]} : vector<16xf32> to vector<1xf32>
        %squeeze3A_263 = vector.extract %slice3A_262[0] : f32 from vector<1xf32>
        %mul3A_264 = vector.broadcast %squeeze3A_263 : f32 to vector<16xf32>
        %mul3A_265 = arith.mulf %mul3A_261, %mul3A_264 : vector<16xf32>
        %add3A_266 = arith.addf %add3A_222, %mul3A_265 : vector<16xf32>
        %add3A_267 = arith.constant 13 : i32
        %add3A_268 = vector.broadcast %add3A_267 : i32 to vector<16xi32>
        %add3A_269 = arith.addi %add3A_124, %add3A_268 : vector<16xi32>
        %gather3A_270 = tpu.vector_load_idx %arg11[%add3A_88, %add3A_269] : memref<128x64xf32, #tpu.memory_space<vmem>>[vector<16xi32>, vector<16xi32>], vector<16xf32>,
        %gather3A_271 = tpu.vector_load_idx %arg13[%add3A_88, %add3A_269] : memref<128x64xf32, #tpu.memory_space<vmem>>[vector<16xi32>, vector<16xi32>], vector<16xf32>,
        %mul3A_272 = arith.mulf %gather3A_270, %gather3A_271 : vector<16xf32>
        %slice3A_273 = vector.extract_strided_slice %get3A_122 {offsets = [13], sizes = [1], strides = [1]} : vector<16xf32> to vector<1xf32>
        %squeeze3A_274 = vector.extract %slice3A_273[0] : f32 from vector<1xf32>
        %mul3A_275 = vector.broadcast %squeeze3A_274 : f32 to vector<16xf32>
        %mul3A_276 = arith.mulf %mul3A_272, %mul3A_275 : vector<16xf32>
        %add3A_277 = arith.addf %add3A_233, %mul3A_276 : vector<16xf32>
        %add3A_278 = arith.constant 14 : i32
        %add3A_279 = vector.broadcast %add3A_278 : i32 to vector<16xi32>
        %add3A_280 = arith.addi %add3A_124, %add3A_279 : vector<16xi32>
        %gather3A_281 = tpu.vector_load_idx %arg11[%add3A_88, %add3A_280] : memref<128x64xf32, #tpu.memory_space<vmem>>[vector<16xi32>, vector<16xi32>], vector<16xf32>,
        %gather3A_282 = tpu.vector_load_idx %arg13[%add3A_88, %add3A_280] : memref<128x64xf32, #tpu.memory_space<vmem>>[vector<16xi32>, vector<16xi32>], vector<16xf32>,
        %mul3A_283 = arith.mulf %gather3A_281, %gather3A_282 : vector<16xf32>
        %slice3A_284 = vector.extract_strided_slice %get3A_122 {offsets = [14], sizes = [1], strides = [1]} : vector<16xf32> to vector<1xf32>
        %squeeze3A_285 = vector.extract %slice3A_284[0] : f32 from vector<1xf32>
        %mul3A_286 = vector.broadcast %squeeze3A_285 : f32 to vector<16xf32>
        %mul3A_287 = arith.mulf %mul3A_283, %mul3A_286 : vector<16xf32>
        %add3A_288 = arith.addf %add3A_244, %mul3A_287 : vector<16xf32>
        %add3A_289 = arith.constant 15 : i32
        %add3A_290 = vector.broadcast %add3A_289 : i32 to vector<16xi32>
        %add3A_291 = arith.addi %add3A_124, %add3A_290 : vector<16xi32>
        %gather3A_292 = tpu.vector_load_idx %arg11[%add3A_88, %add3A_291] : memref<128x64xf32, #tpu.memory_space<vmem>>[vector<16xi32>, vector<16xi32>], vector<16xf32>,
        %gather3A_293 = tpu.vector_load_idx %arg13[%add3A_88, %add3A_291] : memref<128x64xf32, #tpu.memory_space<vmem>>[vector<16xi32>, vector<16xi32>], vector<16xf32>,
        %mul3A_294 = arith.mulf %gather3A_292, %gather3A_293 : vector<16xf32>
        %slice3A_295 = vector.extract_strided_slice %get3A_122 {offsets = [15], sizes = [1], strides = [1]} : vector<16xf32> to vector<1xf32>
        %squeeze3A_296 = vector.extract %slice3A_295[0] : f32 from vector<1xf32>
        %mul3A_297 = vector.broadcast %squeeze3A_296 : f32 to vector<16xf32>
        %mul3A_298 = arith.mulf %mul3A_294, %mul3A_297 : vector<16xf32>
        %add3A_299 = arith.addf %add3A_255, %mul3A_298 : vector<16xf32>
        scf.yield %add3A_266, %add3A_277, %add3A_288, %add3A_299 : vector<16xf32>, vector<16xf32>, vector<16xf32>, vector<16xf32>
      }
      %scan3A_104 = arith.constant 4 : i32
      %add3A_105 = arith.addf %scan3A_103#0, %scan3A_103#1 : vector<16xf32>
      %add3A_106 = arith.addf %scan3A_103#2, %scan3A_103#3 : vector<16xf32>
      %add3A_107 = arith.addf %add3A_105, %add3A_106 : vector<16xf32>
      %mul3A_108 = arith.constant 16 : i32
      %mul3A_109 = arith.muli %scan3A_84, %mul3A_108 : i32
      %add3A_110 = arith.constant 128 : i32
      %add3A_111 = arith.addi %add3A_110, %mul3A_109 : i32
      %multiple_of3A = tpu.assume_multiple %add3A_111, 16 : i32
      %swap3A = arith.index_cast %multiple_of3A : i32 to index
      %swap3A_112 = tpu.vector_load %arg15[%swap3A] {strides = array<i32>} : memref<512xf32, #tpu.memory_space<vmem>>, vector<16xf32>,
      tpu.vector_store %arg15[%swap3A], %add3A_107 {strides = array<i32>} : memref<512xf32, #tpu.memory_space<vmem>>, vector<16xf32>,
    }
    %scan3A_53 = arith.constant 8 : i32
    %scan3A_54 = arith.constant 0 : i32
    %scan3A_55 = arith.constant 0 : i32
    %scan3A_56 = arith.constant 128 : i32
    %scan3A_57 = arith.addi %scan3A_55, %scan3A_56 : i32
    %scan3A_58 = arith.constant 1 : i32
    scf.for %scan3A_84 = %scan3A_55 to %scan3A_57 step %scan3A_58  : i32 {
      %add3A_85 = arith.constant 384 : i32
      %add3A_86 = arith.addi %scan3A_84, %add3A_85 : i32
      %broadcast_in_dim3A_87 = arith.constant 0 : i32
      %broadcast_in_dim3A_88 = vector.broadcast %broadcast_in_dim3A_87 : i32 to vector<16xi32>
      %add3A_89 = vector.broadcast %add3A_86 : i32 to vector<16xi32>
      %add3A_90 = arith.addi %broadcast_in_dim3A_88, %add3A_89 : vector<16xi32>
      %gather3A = tpu.vector_load_idx %arg8[%add3A_90] : memref<512xi32, #tpu.memory_space<vmem>>[vector<16xi32>], vector<16xi32>,
      %slice3A_91 = vector.extract_strided_slice %gather3A {offsets = [0], sizes = [1], strides = [1]} : vector<16xi32> to vector<1xi32>
      %squeeze3A_92 = vector.extract %slice3A_91[0] : i32 from vector<1xi32>
      %gather3A_93 = tpu.vector_load_idx %arg9[%add3A_90] : memref<512xi32, #tpu.memory_space<vmem>>[vector<16xi32>], vector<16xi32>,
      %slice3A_94 = vector.extract_strided_slice %gather3A_93 {offsets = [0], sizes = [1], strides = [1]} : vector<16xi32> to vector<1xi32>
      %squeeze3A_95 = vector.extract %slice3A_94[0] : i32 from vector<1xi32>
      %dma_start3A = arith.constant 0 : i32
      %dma_start3A_96 = tpu.memref_slice %arg11[%scan3A_84, %dma_start3A] : memref<128x64xf32, #tpu.memory_space<vmem>> -> memref<1x64xf32, #tpu.memory_space<vmem>>
      %dma_start3A_97 = tpu.memref_squeeze %dma_start3A_96 : memref<1x64xf32, #tpu.memory_space<vmem>> -> memref<64xf32, #tpu.memory_space<vmem>>
      %dma_start3A_98 = arith.constant 0 : i32
      %dma_start3A_99 = tpu.memref_slice %arg4[%squeeze3A_92, %dma_start3A_98] : memref<1000000x64xf32, #tpu.memory_space<hbm>> -> memref<1x64xf32, #tpu.memory_space<hbm>>
      %dma_start3A_100 = tpu.memref_squeeze %dma_start3A_99 : memref<1x64xf32, #tpu.memory_space<hbm>> -> memref<64xf32, #tpu.memory_space<hbm>>
      %dma_start3A_101 = arith.constant 0 : i32
      %dma_start3A_102 = tpu.memref_slice %arg11[%scan3A_84, %dma_start3A_101] : memref<128x64xf32, #tpu.memory_space<vmem>> -> memref<1x64xf32, #tpu.memory_space<vmem>>
      %dma_start3A_103 = tpu.memref_squeeze %dma_start3A_102 : memref<1x64xf32, #tpu.memory_space<vmem>> -> memref<64xf32, #tpu.memory_space<vmem>>
      %dma_start3A_104 = arith.constant 0 : i32
      %dma_start3A_105 = tpu.memref_slice %arg4[%squeeze3A_92, %dma_start3A_104] : memref<1000000x64xf32, #tpu.memory_space<hbm>> -> memref<1x64xf32, #tpu.memory_space<hbm>>
      %dma_start3A_106 = tpu.memref_squeeze %dma_start3A_105 : memref<1x64xf32, #tpu.memory_space<hbm>> -> memref<64xf32, #tpu.memory_space<hbm>>
      tpu.enqueue_dma source(%dma_start3A_106 : memref<64xf32, #tpu.memory_space<hbm>>) target(%dma_start3A_103 : memref<64xf32, #tpu.memory_space<vmem>>) target_semaphore(%arg17 : memref<!tpu.dma_semaphore, #tpu.memory_space<semaphore_mem>>)
      %dma_start3A_107 = arith.constant 0 : i32
      %dma_start3A_108 = tpu.memref_slice %arg13[%scan3A_84, %dma_start3A_107] : memref<128x64xf32, #tpu.memory_space<vmem>> -> memref<1x64xf32, #tpu.memory_space<vmem>>
      %dma_start3A_109 = tpu.memref_squeeze %dma_start3A_108 : memref<1x64xf32, #tpu.memory_space<vmem>> -> memref<64xf32, #tpu.memory_space<vmem>>
      %dma_start3A_110 = arith.constant 0 : i32
      %dma_start3A_111 = tpu.memref_slice %arg5[%squeeze3A_95, %dma_start3A_110] : memref<100000x64xf32, #tpu.memory_space<hbm>> -> memref<1x64xf32, #tpu.memory_space<hbm>>
      %dma_start3A_112 = tpu.memref_squeeze %dma_start3A_111 : memref<1x64xf32, #tpu.memory_space<hbm>> -> memref<64xf32, #tpu.memory_space<hbm>>
      %dma_start3A_113 = arith.constant 0 : i32
      %dma_start3A_114 = tpu.memref_slice %arg13[%scan3A_84, %dma_start3A_113] : memref<128x64xf32, #tpu.memory_space<vmem>> -> memref<1x64xf32, #tpu.memory_space<vmem>>
      %dma_start3A_115 = tpu.memref_squeeze %dma_start3A_114 : memref<1x64xf32, #tpu.memory_space<vmem>> -> memref<64xf32, #tpu.memory_space<vmem>>
      %dma_start3A_116 = arith.constant 0 : i32
      %dma_start3A_117 = tpu.memref_slice %arg5[%squeeze3A_95, %dma_start3A_116] : memref<100000x64xf32, #tpu.memory_space<hbm>> -> memref<1x64xf32, #tpu.memory_space<hbm>>
      %dma_start3A_118 = tpu.memref_squeeze %dma_start3A_117 : memref<1x64xf32, #tpu.memory_space<hbm>> -> memref<64xf32, #tpu.memory_space<hbm>>
      tpu.enqueue_dma source(%dma_start3A_118 : memref<64xf32, #tpu.memory_space<hbm>>) target(%dma_start3A_115 : memref<64xf32, #tpu.memory_space<vmem>>) target_semaphore(%arg19 : memref<!tpu.dma_semaphore, #tpu.memory_space<semaphore_mem>>)
    }
    %scan3A_59 = arith.constant 128 : i32
    %scan3A_60 = arith.constant 0 : i32
    %scan3A_61 = arith.constant 0 : i32
    %scan3A_62 = arith.constant 128 : i32
    %scan3A_63 = arith.addi %scan3A_61, %scan3A_62 : i32
    %scan3A_64 = arith.constant 1 : i32
    scf.for %scan3A_84 = %scan3A_61 to %scan3A_63 step %scan3A_64  : i32 {
      %dma_wait3A = arith.constant 0 : i32
      %dma_wait3A_85 = arith.constant 0 : i32
      %dma_wait3A_86 = arith.constant 0 : i32
      %dma_wait3A_87 = tpu.memref_slice %arg10[%dma_wait3A_85, %dma_wait3A_86] : memref<128x64xf32, #tpu.memory_space<vmem>> -> memref<1x64xf32, #tpu.memory_space<vmem>>
      %dma_wait3A_88 = tpu.memref_squeeze %dma_wait3A_87 : memref<1x64xf32, #tpu.memory_space<vmem>> -> memref<64xf32, #tpu.memory_space<vmem>>
      %dma_wait3A_89 = arith.constant 0 : i32
      %dma_wait3A_90 = tpu.memref_slice %arg4[%dma_wait3A, %dma_wait3A_89] : memref<1000000x64xf32, #tpu.memory_space<hbm>> -> memref<1x64xf32, #tpu.memory_space<hbm>>
      %dma_wait3A_91 = tpu.memref_squeeze %dma_wait3A_90 : memref<1x64xf32, #tpu.memory_space<hbm>> -> memref<64xf32, #tpu.memory_space<hbm>>
      %dma_wait3A_92 = arith.constant 0 : i32
      %dma_wait3A_93 = tpu.memref_slice %arg10[%dma_wait3A_85, %dma_wait3A_92] : memref<128x64xf32, #tpu.memory_space<vmem>> -> memref<1x64xf32, #tpu.memory_space<vmem>>
      %dma_wait3A_94 = tpu.memref_squeeze %dma_wait3A_93 : memref<1x64xf32, #tpu.memory_space<vmem>> -> memref<64xf32, #tpu.memory_space<vmem>>
      %dma_wait3A_95 = arith.constant 0 : i32
      %dma_wait3A_96 = tpu.memref_slice %arg4[%dma_wait3A, %dma_wait3A_95] : memref<1000000x64xf32, #tpu.memory_space<hbm>> -> memref<1x64xf32, #tpu.memory_space<hbm>>
      %dma_wait3A_97 = tpu.memref_squeeze %dma_wait3A_96 : memref<1x64xf32, #tpu.memory_space<hbm>> -> memref<64xf32, #tpu.memory_space<hbm>>
      tpu.wait_dma2 semaphore(%arg16 : memref<!tpu.dma_semaphore, #tpu.memory_space<semaphore_mem>>) src(%dma_wait3A_97 : memref<64xf32, #tpu.memory_space<hbm>>) dst(%dma_wait3A_94 : memref<64xf32, #tpu.memory_space<vmem>>)
      %dma_wait3A_98 = arith.constant 0 : i32
      %dma_wait3A_99 = arith.constant 0 : i32
      %dma_wait3A_100 = arith.constant 0 : i32
      %dma_wait3A_101 = tpu.memref_slice %arg12[%dma_wait3A_99, %dma_wait3A_100] : memref<128x64xf32, #tpu.memory_space<vmem>> -> memref<1x64xf32, #tpu.memory_space<vmem>>
      %dma_wait3A_102 = tpu.memref_squeeze %dma_wait3A_101 : memref<1x64xf32, #tpu.memory_space<vmem>> -> memref<64xf32, #tpu.memory_space<vmem>>
      %dma_wait3A_103 = arith.constant 0 : i32
      %dma_wait3A_104 = tpu.memref_slice %arg5[%dma_wait3A_98, %dma_wait3A_103] : memref<100000x64xf32, #tpu.memory_space<hbm>> -> memref<1x64xf32, #tpu.memory_space<hbm>>
      %dma_wait3A_105 = tpu.memref_squeeze %dma_wait3A_104 : memref<1x64xf32, #tpu.memory_space<hbm>> -> memref<64xf32, #tpu.memory_space<hbm>>
      %dma_wait3A_106 = arith.constant 0 : i32
      %dma_wait3A_107 = tpu.memref_slice %arg12[%dma_wait3A_99, %dma_wait3A_106] : memref<128x64xf32, #tpu.memory_space<vmem>> -> memref<1x64xf32, #tpu.memory_space<vmem>>
      %dma_wait3A_108 = tpu.memref_squeeze %dma_wait3A_107 : memref<1x64xf32, #tpu.memory_space<vmem>> -> memref<64xf32, #tpu.memory_space<vmem>>
      %dma_wait3A_109 = arith.constant 0 : i32
      %dma_wait3A_110 = tpu.memref_slice %arg5[%dma_wait3A_98, %dma_wait3A_109] : memref<100000x64xf32, #tpu.memory_space<hbm>> -> memref<1x64xf32, #tpu.memory_space<hbm>>
      %dma_wait3A_111 = tpu.memref_squeeze %dma_wait3A_110 : memref<1x64xf32, #tpu.memory_space<hbm>> -> memref<64xf32, #tpu.memory_space<hbm>>
      tpu.wait_dma2 semaphore(%arg18 : memref<!tpu.dma_semaphore, #tpu.memory_space<semaphore_mem>>) src(%dma_wait3A_111 : memref<64xf32, #tpu.memory_space<hbm>>) dst(%dma_wait3A_108 : memref<64xf32, #tpu.memory_space<vmem>>)
    }
    %scan3A_65 = arith.constant 128 : i32
    %scan3A_66 = arith.constant 0 : i32
    %scan3A_67 = arith.constant 0 : i32
    %scan3A_68 = arith.constant 8 : i32
    %scan3A_69 = arith.addi %scan3A_67, %scan3A_68 : i32
    %scan3A_70 = arith.constant 1 : i32
    scf.for %scan3A_84 = %scan3A_67 to %scan3A_69 step %scan3A_70  : i32 {
      %mul3A_85 = arith.constant 16 : i32
      %mul3A_86 = arith.muli %scan3A_84, %mul3A_85 : i32
      %add3A_87 = vector.broadcast %mul3A_86 : i32 to vector<16xi32>
      %add3A_88 = arith.addi %add3A_87, %iota3A : vector<16xi32>
      %broadcast_in_dim3A_89 = arith.constant 0.000000e+00 : f32
      %broadcast_in_dim3A_90 = vector.broadcast %broadcast_in_dim3A_89 : f32 to vector<16xf32>
      %add3A_91 = vector.broadcast %squeeze3A : f32 to vector<16xf32>
      %add3A_92 = arith.addf %broadcast_in_dim3A_90, %add3A_91 : vector<16xf32>
      %broadcast_in_dim3A_93 = arith.constant 0.000000e+00 : f32
      %broadcast_in_dim3A_94 = vector.broadcast %broadcast_in_dim3A_93 : f32 to vector<16xf32>
      %broadcast_in_dim3A_95 = arith.constant 0.000000e+00 : f32
      %broadcast_in_dim3A_96 = vector.broadcast %broadcast_in_dim3A_95 : f32 to vector<16xf32>
      %broadcast_in_dim3A_97 = arith.constant 0.000000e+00 : f32
      %broadcast_in_dim3A_98 = vector.broadcast %broadcast_in_dim3A_97 : f32 to vector<16xf32>
      %scan3A_99 = arith.constant 0 : i32
      %scan3A_100 = arith.constant 4 : i32
      %scan3A_101 = arith.addi %scan3A_99, %scan3A_100 : i32
      %scan3A_102 = arith.constant 1 : i32
      %scan3A_103:4 = scf.for %scan3A_113 = %scan3A_99 to %scan3A_101 step %scan3A_102 iter_args(%scan3A_114 = %add3A_92, %scan3A_115 = %broadcast_in_dim3A_94, %scan3A_116 = %broadcast_in_dim3A_96, %scan3A_117 = %broadcast_in_dim3A_98) -> (vector<16xf32>, vector<16xf32>, vector<16xf32>, vector<16xf32>)  : i32 {
        %mul3A_118 = arith.constant 16 : i32
        %mul3A_119 = arith.muli %scan3A_113, %mul3A_118 : i32
        %multiple_of3A_120 = tpu.assume_multiple %mul3A_119, 16 : i32
        %get3A_121 = arith.index_cast %multiple_of3A_120 : i32 to index
        %get3A_122 = tpu.vector_load %arg14[%get3A_121] {strides = array<i32>} : memref<80xf32, #tpu.memory_space<vmem>>, vector<16xf32>,
        %add3A_123 = vector.broadcast %mul3A_119 : i32 to vector<16xi32>
        %add3A_124 = arith.addi %broadcast_in_dim3A_12, %add3A_123 : vector<16xi32>
        %add3A_125 = arith.constant 0 : i32
        %add3A_126 = vector.broadcast %add3A_125 : i32 to vector<16xi32>
        %add3A_127 = arith.addi %add3A_124, %add3A_126 : vector<16xi32>
        %gather3A = tpu.vector_load_idx %arg10[%add3A_88, %add3A_127] : memref<128x64xf32, #tpu.memory_space<vmem>>[vector<16xi32>, vector<16xi32>], vector<16xf32>,
        %gather3A_128 = tpu.vector_load_idx %arg12[%add3A_88, %add3A_127] : memref<128x64xf32, #tpu.memory_space<vmem>>[vector<16xi32>, vector<16xi32>], vector<16xf32>,
        %mul3A_129 = arith.mulf %gather3A, %gather3A_128 : vector<16xf32>
        %slice3A_130 = vector.extract_strided_slice %get3A_122 {offsets = [0], sizes = [1], strides = [1]} : vector<16xf32> to vector<1xf32>
        %squeeze3A_131 = vector.extract %slice3A_130[0] : f32 from vector<1xf32>
        %mul3A_132 = vector.broadcast %squeeze3A_131 : f32 to vector<16xf32>
        %mul3A_133 = arith.mulf %mul3A_129, %mul3A_132 : vector<16xf32>
        %add3A_134 = arith.addf %scan3A_114, %mul3A_133 : vector<16xf32>
        %add3A_135 = arith.constant 1 : i32
        %add3A_136 = vector.broadcast %add3A_135 : i32 to vector<16xi32>
        %add3A_137 = arith.addi %add3A_124, %add3A_136 : vector<16xi32>
        %gather3A_138 = tpu.vector_load_idx %arg10[%add3A_88, %add3A_137] : memref<128x64xf32, #tpu.memory_space<vmem>>[vector<16xi32>, vector<16xi32>], vector<16xf32>,
        %gather3A_139 = tpu.vector_load_idx %arg12[%add3A_88, %add3A_137] : memref<128x64xf32, #tpu.memory_space<vmem>>[vector<16xi32>, vector<16xi32>], vector<16xf32>,
        %mul3A_140 = arith.mulf %gather3A_138, %gather3A_139 : vector<16xf32>
        %slice3A_141 = vector.extract_strided_slice %get3A_122 {offsets = [1], sizes = [1], strides = [1]} : vector<16xf32> to vector<1xf32>
        %squeeze3A_142 = vector.extract %slice3A_141[0] : f32 from vector<1xf32>
        %mul3A_143 = vector.broadcast %squeeze3A_142 : f32 to vector<16xf32>
        %mul3A_144 = arith.mulf %mul3A_140, %mul3A_143 : vector<16xf32>
        %add3A_145 = arith.addf %scan3A_115, %mul3A_144 : vector<16xf32>
        %add3A_146 = arith.constant 2 : i32
        %add3A_147 = vector.broadcast %add3A_146 : i32 to vector<16xi32>
        %add3A_148 = arith.addi %add3A_124, %add3A_147 : vector<16xi32>
        %gather3A_149 = tpu.vector_load_idx %arg10[%add3A_88, %add3A_148] : memref<128x64xf32, #tpu.memory_space<vmem>>[vector<16xi32>, vector<16xi32>], vector<16xf32>,
        %gather3A_150 = tpu.vector_load_idx %arg12[%add3A_88, %add3A_148] : memref<128x64xf32, #tpu.memory_space<vmem>>[vector<16xi32>, vector<16xi32>], vector<16xf32>,
        %mul3A_151 = arith.mulf %gather3A_149, %gather3A_150 : vector<16xf32>
        %slice3A_152 = vector.extract_strided_slice %get3A_122 {offsets = [2], sizes = [1], strides = [1]} : vector<16xf32> to vector<1xf32>
        %squeeze3A_153 = vector.extract %slice3A_152[0] : f32 from vector<1xf32>
        %mul3A_154 = vector.broadcast %squeeze3A_153 : f32 to vector<16xf32>
        %mul3A_155 = arith.mulf %mul3A_151, %mul3A_154 : vector<16xf32>
        %add3A_156 = arith.addf %scan3A_116, %mul3A_155 : vector<16xf32>
        %add3A_157 = arith.constant 3 : i32
        %add3A_158 = vector.broadcast %add3A_157 : i32 to vector<16xi32>
        %add3A_159 = arith.addi %add3A_124, %add3A_158 : vector<16xi32>
        %gather3A_160 = tpu.vector_load_idx %arg10[%add3A_88, %add3A_159] : memref<128x64xf32, #tpu.memory_space<vmem>>[vector<16xi32>, vector<16xi32>], vector<16xf32>,
        %gather3A_161 = tpu.vector_load_idx %arg12[%add3A_88, %add3A_159] : memref<128x64xf32, #tpu.memory_space<vmem>>[vector<16xi32>, vector<16xi32>], vector<16xf32>,
        %mul3A_162 = arith.mulf %gather3A_160, %gather3A_161 : vector<16xf32>
        %slice3A_163 = vector.extract_strided_slice %get3A_122 {offsets = [3], sizes = [1], strides = [1]} : vector<16xf32> to vector<1xf32>
        %squeeze3A_164 = vector.extract %slice3A_163[0] : f32 from vector<1xf32>
        %mul3A_165 = vector.broadcast %squeeze3A_164 : f32 to vector<16xf32>
        %mul3A_166 = arith.mulf %mul3A_162, %mul3A_165 : vector<16xf32>
        %add3A_167 = arith.addf %scan3A_117, %mul3A_166 : vector<16xf32>
        %add3A_168 = arith.constant 4 : i32
        %add3A_169 = vector.broadcast %add3A_168 : i32 to vector<16xi32>
        %add3A_170 = arith.addi %add3A_124, %add3A_169 : vector<16xi32>
        %gather3A_171 = tpu.vector_load_idx %arg10[%add3A_88, %add3A_170] : memref<128x64xf32, #tpu.memory_space<vmem>>[vector<16xi32>, vector<16xi32>], vector<16xf32>,
        %gather3A_172 = tpu.vector_load_idx %arg12[%add3A_88, %add3A_170] : memref<128x64xf32, #tpu.memory_space<vmem>>[vector<16xi32>, vector<16xi32>], vector<16xf32>,
        %mul3A_173 = arith.mulf %gather3A_171, %gather3A_172 : vector<16xf32>
        %slice3A_174 = vector.extract_strided_slice %get3A_122 {offsets = [4], sizes = [1], strides = [1]} : vector<16xf32> to vector<1xf32>
        %squeeze3A_175 = vector.extract %slice3A_174[0] : f32 from vector<1xf32>
        %mul3A_176 = vector.broadcast %squeeze3A_175 : f32 to vector<16xf32>
        %mul3A_177 = arith.mulf %mul3A_173, %mul3A_176 : vector<16xf32>
        %add3A_178 = arith.addf %add3A_134, %mul3A_177 : vector<16xf32>
        %add3A_179 = arith.constant 5 : i32
        %add3A_180 = vector.broadcast %add3A_179 : i32 to vector<16xi32>
        %add3A_181 = arith.addi %add3A_124, %add3A_180 : vector<16xi32>
        %gather3A_182 = tpu.vector_load_idx %arg10[%add3A_88, %add3A_181] : memref<128x64xf32, #tpu.memory_space<vmem>>[vector<16xi32>, vector<16xi32>], vector<16xf32>,
        %gather3A_183 = tpu.vector_load_idx %arg12[%add3A_88, %add3A_181] : memref<128x64xf32, #tpu.memory_space<vmem>>[vector<16xi32>, vector<16xi32>], vector<16xf32>,
        %mul3A_184 = arith.mulf %gather3A_182, %gather3A_183 : vector<16xf32>
        %slice3A_185 = vector.extract_strided_slice %get3A_122 {offsets = [5], sizes = [1], strides = [1]} : vector<16xf32> to vector<1xf32>
        %squeeze3A_186 = vector.extract %slice3A_185[0] : f32 from vector<1xf32>
        %mul3A_187 = vector.broadcast %squeeze3A_186 : f32 to vector<16xf32>
        %mul3A_188 = arith.mulf %mul3A_184, %mul3A_187 : vector<16xf32>
        %add3A_189 = arith.addf %add3A_145, %mul3A_188 : vector<16xf32>
        %add3A_190 = arith.constant 6 : i32
        %add3A_191 = vector.broadcast %add3A_190 : i32 to vector<16xi32>
        %add3A_192 = arith.addi %add3A_124, %add3A_191 : vector<16xi32>
        %gather3A_193 = tpu.vector_load_idx %arg10[%add3A_88, %add3A_192] : memref<128x64xf32, #tpu.memory_space<vmem>>[vector<16xi32>, vector<16xi32>], vector<16xf32>,
        %gather3A_194 = tpu.vector_load_idx %arg12[%add3A_88, %add3A_192] : memref<128x64xf32, #tpu.memory_space<vmem>>[vector<16xi32>, vector<16xi32>], vector<16xf32>,
        %mul3A_195 = arith.mulf %gather3A_193, %gather3A_194 : vector<16xf32>
        %slice3A_196 = vector.extract_strided_slice %get3A_122 {offsets = [6], sizes = [1], strides = [1]} : vector<16xf32> to vector<1xf32>
        %squeeze3A_197 = vector.extract %slice3A_196[0] : f32 from vector<1xf32>
        %mul3A_198 = vector.broadcast %squeeze3A_197 : f32 to vector<16xf32>
        %mul3A_199 = arith.mulf %mul3A_195, %mul3A_198 : vector<16xf32>
        %add3A_200 = arith.addf %add3A_156, %mul3A_199 : vector<16xf32>
        %add3A_201 = arith.constant 7 : i32
        %add3A_202 = vector.broadcast %add3A_201 : i32 to vector<16xi32>
        %add3A_203 = arith.addi %add3A_124, %add3A_202 : vector<16xi32>
        %gather3A_204 = tpu.vector_load_idx %arg10[%add3A_88, %add3A_203] : memref<128x64xf32, #tpu.memory_space<vmem>>[vector<16xi32>, vector<16xi32>], vector<16xf32>,
        %gather3A_205 = tpu.vector_load_idx %arg12[%add3A_88, %add3A_203] : memref<128x64xf32, #tpu.memory_space<vmem>>[vector<16xi32>, vector<16xi32>], vector<16xf32>,
        %mul3A_206 = arith.mulf %gather3A_204, %gather3A_205 : vector<16xf32>
        %slice3A_207 = vector.extract_strided_slice %get3A_122 {offsets = [7], sizes = [1], strides = [1]} : vector<16xf32> to vector<1xf32>
        %squeeze3A_208 = vector.extract %slice3A_207[0] : f32 from vector<1xf32>
        %mul3A_209 = vector.broadcast %squeeze3A_208 : f32 to vector<16xf32>
        %mul3A_210 = arith.mulf %mul3A_206, %mul3A_209 : vector<16xf32>
        %add3A_211 = arith.addf %add3A_167, %mul3A_210 : vector<16xf32>
        %add3A_212 = arith.constant 8 : i32
        %add3A_213 = vector.broadcast %add3A_212 : i32 to vector<16xi32>
        %add3A_214 = arith.addi %add3A_124, %add3A_213 : vector<16xi32>
        %gather3A_215 = tpu.vector_load_idx %arg10[%add3A_88, %add3A_214] : memref<128x64xf32, #tpu.memory_space<vmem>>[vector<16xi32>, vector<16xi32>], vector<16xf32>,
        %gather3A_216 = tpu.vector_load_idx %arg12[%add3A_88, %add3A_214] : memref<128x64xf32, #tpu.memory_space<vmem>>[vector<16xi32>, vector<16xi32>], vector<16xf32>,
        %mul3A_217 = arith.mulf %gather3A_215, %gather3A_216 : vector<16xf32>
        %slice3A_218 = vector.extract_strided_slice %get3A_122 {offsets = [8], sizes = [1], strides = [1]} : vector<16xf32> to vector<1xf32>
        %squeeze3A_219 = vector.extract %slice3A_218[0] : f32 from vector<1xf32>
        %mul3A_220 = vector.broadcast %squeeze3A_219 : f32 to vector<16xf32>
        %mul3A_221 = arith.mulf %mul3A_217, %mul3A_220 : vector<16xf32>
        %add3A_222 = arith.addf %add3A_178, %mul3A_221 : vector<16xf32>
        %add3A_223 = arith.constant 9 : i32
        %add3A_224 = vector.broadcast %add3A_223 : i32 to vector<16xi32>
        %add3A_225 = arith.addi %add3A_124, %add3A_224 : vector<16xi32>
        %gather3A_226 = tpu.vector_load_idx %arg10[%add3A_88, %add3A_225] : memref<128x64xf32, #tpu.memory_space<vmem>>[vector<16xi32>, vector<16xi32>], vector<16xf32>,
        %gather3A_227 = tpu.vector_load_idx %arg12[%add3A_88, %add3A_225] : memref<128x64xf32, #tpu.memory_space<vmem>>[vector<16xi32>, vector<16xi32>], vector<16xf32>,
        %mul3A_228 = arith.mulf %gather3A_226, %gather3A_227 : vector<16xf32>
        %slice3A_229 = vector.extract_strided_slice %get3A_122 {offsets = [9], sizes = [1], strides = [1]} : vector<16xf32> to vector<1xf32>
        %squeeze3A_230 = vector.extract %slice3A_229[0] : f32 from vector<1xf32>
        %mul3A_231 = vector.broadcast %squeeze3A_230 : f32 to vector<16xf32>
        %mul3A_232 = arith.mulf %mul3A_228, %mul3A_231 : vector<16xf32>
        %add3A_233 = arith.addf %add3A_189, %mul3A_232 : vector<16xf32>
        %add3A_234 = arith.constant 10 : i32
        %add3A_235 = vector.broadcast %add3A_234 : i32 to vector<16xi32>
        %add3A_236 = arith.addi %add3A_124, %add3A_235 : vector<16xi32>
        %gather3A_237 = tpu.vector_load_idx %arg10[%add3A_88, %add3A_236] : memref<128x64xf32, #tpu.memory_space<vmem>>[vector<16xi32>, vector<16xi32>], vector<16xf32>,
        %gather3A_238 = tpu.vector_load_idx %arg12[%add3A_88, %add3A_236] : memref<128x64xf32, #tpu.memory_space<vmem>>[vector<16xi32>, vector<16xi32>], vector<16xf32>,
        %mul3A_239 = arith.mulf %gather3A_237, %gather3A_238 : vector<16xf32>
        %slice3A_240 = vector.extract_strided_slice %get3A_122 {offsets = [10], sizes = [1], strides = [1]} : vector<16xf32> to vector<1xf32>
        %squeeze3A_241 = vector.extract %slice3A_240[0] : f32 from vector<1xf32>
        %mul3A_242 = vector.broadcast %squeeze3A_241 : f32 to vector<16xf32>
        %mul3A_243 = arith.mulf %mul3A_239, %mul3A_242 : vector<16xf32>
        %add3A_244 = arith.addf %add3A_200, %mul3A_243 : vector<16xf32>
        %add3A_245 = arith.constant 11 : i32
        %add3A_246 = vector.broadcast %add3A_245 : i32 to vector<16xi32>
        %add3A_247 = arith.addi %add3A_124, %add3A_246 : vector<16xi32>
        %gather3A_248 = tpu.vector_load_idx %arg10[%add3A_88, %add3A_247] : memref<128x64xf32, #tpu.memory_space<vmem>>[vector<16xi32>, vector<16xi32>], vector<16xf32>,
        %gather3A_249 = tpu.vector_load_idx %arg12[%add3A_88, %add3A_247] : memref<128x64xf32, #tpu.memory_space<vmem>>[vector<16xi32>, vector<16xi32>], vector<16xf32>,
        %mul3A_250 = arith.mulf %gather3A_248, %gather3A_249 : vector<16xf32>
        %slice3A_251 = vector.extract_strided_slice %get3A_122 {offsets = [11], sizes = [1], strides = [1]} : vector<16xf32> to vector<1xf32>
        %squeeze3A_252 = vector.extract %slice3A_251[0] : f32 from vector<1xf32>
        %mul3A_253 = vector.broadcast %squeeze3A_252 : f32 to vector<16xf32>
        %mul3A_254 = arith.mulf %mul3A_250, %mul3A_253 : vector<16xf32>
        %add3A_255 = arith.addf %add3A_211, %mul3A_254 : vector<16xf32>
        %add3A_256 = arith.constant 12 : i32
        %add3A_257 = vector.broadcast %add3A_256 : i32 to vector<16xi32>
        %add3A_258 = arith.addi %add3A_124, %add3A_257 : vector<16xi32>
        %gather3A_259 = tpu.vector_load_idx %arg10[%add3A_88, %add3A_258] : memref<128x64xf32, #tpu.memory_space<vmem>>[vector<16xi32>, vector<16xi32>], vector<16xf32>,
        %gather3A_260 = tpu.vector_load_idx %arg12[%add3A_88, %add3A_258] : memref<128x64xf32, #tpu.memory_space<vmem>>[vector<16xi32>, vector<16xi32>], vector<16xf32>,
        %mul3A_261 = arith.mulf %gather3A_259, %gather3A_260 : vector<16xf32>
        %slice3A_262 = vector.extract_strided_slice %get3A_122 {offsets = [12], sizes = [1], strides = [1]} : vector<16xf32> to vector<1xf32>
        %squeeze3A_263 = vector.extract %slice3A_262[0] : f32 from vector<1xf32>
        %mul3A_264 = vector.broadcast %squeeze3A_263 : f32 to vector<16xf32>
        %mul3A_265 = arith.mulf %mul3A_261, %mul3A_264 : vector<16xf32>
        %add3A_266 = arith.addf %add3A_222, %mul3A_265 : vector<16xf32>
        %add3A_267 = arith.constant 13 : i32
        %add3A_268 = vector.broadcast %add3A_267 : i32 to vector<16xi32>
        %add3A_269 = arith.addi %add3A_124, %add3A_268 : vector<16xi32>
        %gather3A_270 = tpu.vector_load_idx %arg10[%add3A_88, %add3A_269] : memref<128x64xf32, #tpu.memory_space<vmem>>[vector<16xi32>, vector<16xi32>], vector<16xf32>,
        %gather3A_271 = tpu.vector_load_idx %arg12[%add3A_88, %add3A_269] : memref<128x64xf32, #tpu.memory_space<vmem>>[vector<16xi32>, vector<16xi32>], vector<16xf32>,
        %mul3A_272 = arith.mulf %gather3A_270, %gather3A_271 : vector<16xf32>
        %slice3A_273 = vector.extract_strided_slice %get3A_122 {offsets = [13], sizes = [1], strides = [1]} : vector<16xf32> to vector<1xf32>
        %squeeze3A_274 = vector.extract %slice3A_273[0] : f32 from vector<1xf32>
        %mul3A_275 = vector.broadcast %squeeze3A_274 : f32 to vector<16xf32>
        %mul3A_276 = arith.mulf %mul3A_272, %mul3A_275 : vector<16xf32>
        %add3A_277 = arith.addf %add3A_233, %mul3A_276 : vector<16xf32>
        %add3A_278 = arith.constant 14 : i32
        %add3A_279 = vector.broadcast %add3A_278 : i32 to vector<16xi32>
        %add3A_280 = arith.addi %add3A_124, %add3A_279 : vector<16xi32>
        %gather3A_281 = tpu.vector_load_idx %arg10[%add3A_88, %add3A_280] : memref<128x64xf32, #tpu.memory_space<vmem>>[vector<16xi32>, vector<16xi32>], vector<16xf32>,
        %gather3A_282 = tpu.vector_load_idx %arg12[%add3A_88, %add3A_280] : memref<128x64xf32, #tpu.memory_space<vmem>>[vector<16xi32>, vector<16xi32>], vector<16xf32>,
        %mul3A_283 = arith.mulf %gather3A_281, %gather3A_282 : vector<16xf32>
        %slice3A_284 = vector.extract_strided_slice %get3A_122 {offsets = [14], sizes = [1], strides = [1]} : vector<16xf32> to vector<1xf32>
        %squeeze3A_285 = vector.extract %slice3A_284[0] : f32 from vector<1xf32>
        %mul3A_286 = vector.broadcast %squeeze3A_285 : f32 to vector<16xf32>
        %mul3A_287 = arith.mulf %mul3A_283, %mul3A_286 : vector<16xf32>
        %add3A_288 = arith.addf %add3A_244, %mul3A_287 : vector<16xf32>
        %add3A_289 = arith.constant 15 : i32
        %add3A_290 = vector.broadcast %add3A_289 : i32 to vector<16xi32>
        %add3A_291 = arith.addi %add3A_124, %add3A_290 : vector<16xi32>
        %gather3A_292 = tpu.vector_load_idx %arg10[%add3A_88, %add3A_291] : memref<128x64xf32, #tpu.memory_space<vmem>>[vector<16xi32>, vector<16xi32>], vector<16xf32>,
        %gather3A_293 = tpu.vector_load_idx %arg12[%add3A_88, %add3A_291] : memref<128x64xf32, #tpu.memory_space<vmem>>[vector<16xi32>, vector<16xi32>], vector<16xf32>,
        %mul3A_294 = arith.mulf %gather3A_292, %gather3A_293 : vector<16xf32>
        %slice3A_295 = vector.extract_strided_slice %get3A_122 {offsets = [15], sizes = [1], strides = [1]} : vector<16xf32> to vector<1xf32>
        %squeeze3A_296 = vector.extract %slice3A_295[0] : f32 from vector<1xf32>
        %mul3A_297 = vector.broadcast %squeeze3A_296 : f32 to vector<16xf32>
        %mul3A_298 = arith.mulf %mul3A_294, %mul3A_297 : vector<16xf32>
        %add3A_299 = arith.addf %add3A_255, %mul3A_298 : vector<16xf32>
        scf.yield %add3A_266, %add3A_277, %add3A_288, %add3A_299 : vector<16xf32>, vector<16xf32>, vector<16xf32>, vector<16xf32>
      }
      %scan3A_104 = arith.constant 4 : i32
      %add3A_105 = arith.addf %scan3A_103#0, %scan3A_103#1 : vector<16xf32>
      %add3A_106 = arith.addf %scan3A_103#2, %scan3A_103#3 : vector<16xf32>
      %add3A_107 = arith.addf %add3A_105, %add3A_106 : vector<16xf32>
      %mul3A_108 = arith.constant 16 : i32
      %mul3A_109 = arith.muli %scan3A_84, %mul3A_108 : i32
      %add3A_110 = arith.constant 256 : i32
      %add3A_111 = arith.addi %add3A_110, %mul3A_109 : i32
      %multiple_of3A = tpu.assume_multiple %add3A_111, 16 : i32
      %swap3A = arith.index_cast %multiple_of3A : i32 to index
      %swap3A_112 = tpu.vector_load %arg15[%swap3A] {strides = array<i32>} : memref<512xf32, #tpu.memory_space<vmem>>, vector<16xf32>,
      tpu.vector_store %arg15[%swap3A], %add3A_107 {strides = array<i32>} : memref<512xf32, #tpu.memory_space<vmem>>, vector<16xf32>,
    }
    %scan3A_71 = arith.constant 8 : i32
    %scan3A_72 = arith.constant 0 : i32
    %scan3A_73 = arith.constant 0 : i32
    %scan3A_74 = arith.constant 128 : i32
    %scan3A_75 = arith.addi %scan3A_73, %scan3A_74 : i32
    %scan3A_76 = arith.constant 1 : i32
    scf.for %scan3A_84 = %scan3A_73 to %scan3A_75 step %scan3A_76  : i32 {
      %dma_wait3A = arith.constant 0 : i32
      %dma_wait3A_85 = arith.constant 0 : i32
      %dma_wait3A_86 = arith.constant 0 : i32
      %dma_wait3A_87 = tpu.memref_slice %arg11[%dma_wait3A_85, %dma_wait3A_86] : memref<128x64xf32, #tpu.memory_space<vmem>> -> memref<1x64xf32, #tpu.memory_space<vmem>>
      %dma_wait3A_88 = tpu.memref_squeeze %dma_wait3A_87 : memref<1x64xf32, #tpu.memory_space<vmem>> -> memref<64xf32, #tpu.memory_space<vmem>>
      %dma_wait3A_89 = arith.constant 0 : i32
      %dma_wait3A_90 = tpu.memref_slice %arg4[%dma_wait3A, %dma_wait3A_89] : memref<1000000x64xf32, #tpu.memory_space<hbm>> -> memref<1x64xf32, #tpu.memory_space<hbm>>
      %dma_wait3A_91 = tpu.memref_squeeze %dma_wait3A_90 : memref<1x64xf32, #tpu.memory_space<hbm>> -> memref<64xf32, #tpu.memory_space<hbm>>
      %dma_wait3A_92 = arith.constant 0 : i32
      %dma_wait3A_93 = tpu.memref_slice %arg11[%dma_wait3A_85, %dma_wait3A_92] : memref<128x64xf32, #tpu.memory_space<vmem>> -> memref<1x64xf32, #tpu.memory_space<vmem>>
      %dma_wait3A_94 = tpu.memref_squeeze %dma_wait3A_93 : memref<1x64xf32, #tpu.memory_space<vmem>> -> memref<64xf32, #tpu.memory_space<vmem>>
      %dma_wait3A_95 = arith.constant 0 : i32
      %dma_wait3A_96 = tpu.memref_slice %arg4[%dma_wait3A, %dma_wait3A_95] : memref<1000000x64xf32, #tpu.memory_space<hbm>> -> memref<1x64xf32, #tpu.memory_space<hbm>>
      %dma_wait3A_97 = tpu.memref_squeeze %dma_wait3A_96 : memref<1x64xf32, #tpu.memory_space<hbm>> -> memref<64xf32, #tpu.memory_space<hbm>>
      tpu.wait_dma2 semaphore(%arg17 : memref<!tpu.dma_semaphore, #tpu.memory_space<semaphore_mem>>) src(%dma_wait3A_97 : memref<64xf32, #tpu.memory_space<hbm>>) dst(%dma_wait3A_94 : memref<64xf32, #tpu.memory_space<vmem>>)
      %dma_wait3A_98 = arith.constant 0 : i32
      %dma_wait3A_99 = arith.constant 0 : i32
      %dma_wait3A_100 = arith.constant 0 : i32
      %dma_wait3A_101 = tpu.memref_slice %arg13[%dma_wait3A_99, %dma_wait3A_100] : memref<128x64xf32, #tpu.memory_space<vmem>> -> memref<1x64xf32, #tpu.memory_space<vmem>>
      %dma_wait3A_102 = tpu.memref_squeeze %dma_wait3A_101 : memref<1x64xf32, #tpu.memory_space<vmem>> -> memref<64xf32, #tpu.memory_space<vmem>>
      %dma_wait3A_103 = arith.constant 0 : i32
      %dma_wait3A_104 = tpu.memref_slice %arg5[%dma_wait3A_98, %dma_wait3A_103] : memref<100000x64xf32, #tpu.memory_space<hbm>> -> memref<1x64xf32, #tpu.memory_space<hbm>>
      %dma_wait3A_105 = tpu.memref_squeeze %dma_wait3A_104 : memref<1x64xf32, #tpu.memory_space<hbm>> -> memref<64xf32, #tpu.memory_space<hbm>>
      %dma_wait3A_106 = arith.constant 0 : i32
      %dma_wait3A_107 = tpu.memref_slice %arg13[%dma_wait3A_99, %dma_wait3A_106] : memref<128x64xf32, #tpu.memory_space<vmem>> -> memref<1x64xf32, #tpu.memory_space<vmem>>
      %dma_wait3A_108 = tpu.memref_squeeze %dma_wait3A_107 : memref<1x64xf32, #tpu.memory_space<vmem>> -> memref<64xf32, #tpu.memory_space<vmem>>
      %dma_wait3A_109 = arith.constant 0 : i32
      %dma_wait3A_110 = tpu.memref_slice %arg5[%dma_wait3A_98, %dma_wait3A_109] : memref<100000x64xf32, #tpu.memory_space<hbm>> -> memref<1x64xf32, #tpu.memory_space<hbm>>
      %dma_wait3A_111 = tpu.memref_squeeze %dma_wait3A_110 : memref<1x64xf32, #tpu.memory_space<hbm>> -> memref<64xf32, #tpu.memory_space<hbm>>
      tpu.wait_dma2 semaphore(%arg19 : memref<!tpu.dma_semaphore, #tpu.memory_space<semaphore_mem>>) src(%dma_wait3A_111 : memref<64xf32, #tpu.memory_space<hbm>>) dst(%dma_wait3A_108 : memref<64xf32, #tpu.memory_space<vmem>>)
    }
    %scan3A_77 = arith.constant 128 : i32
    %scan3A_78 = arith.constant 0 : i32
    %scan3A_79 = arith.constant 0 : i32
    %scan3A_80 = arith.constant 8 : i32
    %scan3A_81 = arith.addi %scan3A_79, %scan3A_80 : i32
    %scan3A_82 = arith.constant 1 : i32
    scf.for %scan3A_84 = %scan3A_79 to %scan3A_81 step %scan3A_82  : i32 {
      %mul3A_85 = arith.constant 16 : i32
      %mul3A_86 = arith.muli %scan3A_84, %mul3A_85 : i32
      %add3A_87 = vector.broadcast %mul3A_86 : i32 to vector<16xi32>
      %add3A_88 = arith.addi %add3A_87, %iota3A : vector<16xi32>
      %broadcast_in_dim3A_89 = arith.constant 0.000000e+00 : f32
      %broadcast_in_dim3A_90 = vector.broadcast %broadcast_in_dim3A_89 : f32 to vector<16xf32>
      %add3A_91 = vector.broadcast %squeeze3A : f32 to vector<16xf32>
      %add3A_92 = arith.addf %broadcast_in_dim3A_90, %add3A_91 : vector<16xf32>
      %broadcast_in_dim3A_93 = arith.constant 0.000000e+00 : f32
      %broadcast_in_dim3A_94 = vector.broadcast %broadcast_in_dim3A_93 : f32 to vector<16xf32>
      %broadcast_in_dim3A_95 = arith.constant 0.000000e+00 : f32
      %broadcast_in_dim3A_96 = vector.broadcast %broadcast_in_dim3A_95 : f32 to vector<16xf32>
      %broadcast_in_dim3A_97 = arith.constant 0.000000e+00 : f32
      %broadcast_in_dim3A_98 = vector.broadcast %broadcast_in_dim3A_97 : f32 to vector<16xf32>
      %scan3A_99 = arith.constant 0 : i32
      %scan3A_100 = arith.constant 4 : i32
      %scan3A_101 = arith.addi %scan3A_99, %scan3A_100 : i32
      %scan3A_102 = arith.constant 1 : i32
      %scan3A_103:4 = scf.for %scan3A_113 = %scan3A_99 to %scan3A_101 step %scan3A_102 iter_args(%scan3A_114 = %add3A_92, %scan3A_115 = %broadcast_in_dim3A_94, %scan3A_116 = %broadcast_in_dim3A_96, %scan3A_117 = %broadcast_in_dim3A_98) -> (vector<16xf32>, vector<16xf32>, vector<16xf32>, vector<16xf32>)  : i32 {
        %mul3A_118 = arith.constant 16 : i32
        %mul3A_119 = arith.muli %scan3A_113, %mul3A_118 : i32
        %multiple_of3A_120 = tpu.assume_multiple %mul3A_119, 16 : i32
        %get3A_121 = arith.index_cast %multiple_of3A_120 : i32 to index
        %get3A_122 = tpu.vector_load %arg14[%get3A_121] {strides = array<i32>} : memref<80xf32, #tpu.memory_space<vmem>>, vector<16xf32>,
        %add3A_123 = vector.broadcast %mul3A_119 : i32 to vector<16xi32>
        %add3A_124 = arith.addi %broadcast_in_dim3A_12, %add3A_123 : vector<16xi32>
        %add3A_125 = arith.constant 0 : i32
        %add3A_126 = vector.broadcast %add3A_125 : i32 to vector<16xi32>
        %add3A_127 = arith.addi %add3A_124, %add3A_126 : vector<16xi32>
        %gather3A = tpu.vector_load_idx %arg11[%add3A_88, %add3A_127] : memref<128x64xf32, #tpu.memory_space<vmem>>[vector<16xi32>, vector<16xi32>], vector<16xf32>,
        %gather3A_128 = tpu.vector_load_idx %arg13[%add3A_88, %add3A_127] : memref<128x64xf32, #tpu.memory_space<vmem>>[vector<16xi32>, vector<16xi32>], vector<16xf32>,
        %mul3A_129 = arith.mulf %gather3A, %gather3A_128 : vector<16xf32>
        %slice3A_130 = vector.extract_strided_slice %get3A_122 {offsets = [0], sizes = [1], strides = [1]} : vector<16xf32> to vector<1xf32>
        %squeeze3A_131 = vector.extract %slice3A_130[0] : f32 from vector<1xf32>
        %mul3A_132 = vector.broadcast %squeeze3A_131 : f32 to vector<16xf32>
        %mul3A_133 = arith.mulf %mul3A_129, %mul3A_132 : vector<16xf32>
        %add3A_134 = arith.addf %scan3A_114, %mul3A_133 : vector<16xf32>
        %add3A_135 = arith.constant 1 : i32
        %add3A_136 = vector.broadcast %add3A_135 : i32 to vector<16xi32>
        %add3A_137 = arith.addi %add3A_124, %add3A_136 : vector<16xi32>
        %gather3A_138 = tpu.vector_load_idx %arg11[%add3A_88, %add3A_137] : memref<128x64xf32, #tpu.memory_space<vmem>>[vector<16xi32>, vector<16xi32>], vector<16xf32>,
        %gather3A_139 = tpu.vector_load_idx %arg13[%add3A_88, %add3A_137] : memref<128x64xf32, #tpu.memory_space<vmem>>[vector<16xi32>, vector<16xi32>], vector<16xf32>,
        %mul3A_140 = arith.mulf %gather3A_138, %gather3A_139 : vector<16xf32>
        %slice3A_141 = vector.extract_strided_slice %get3A_122 {offsets = [1], sizes = [1], strides = [1]} : vector<16xf32> to vector<1xf32>
        %squeeze3A_142 = vector.extract %slice3A_141[0] : f32 from vector<1xf32>
        %mul3A_143 = vector.broadcast %squeeze3A_142 : f32 to vector<16xf32>
        %mul3A_144 = arith.mulf %mul3A_140, %mul3A_143 : vector<16xf32>
        %add3A_145 = arith.addf %scan3A_115, %mul3A_144 : vector<16xf32>
        %add3A_146 = arith.constant 2 : i32
        %add3A_147 = vector.broadcast %add3A_146 : i32 to vector<16xi32>
        %add3A_148 = arith.addi %add3A_124, %add3A_147 : vector<16xi32>
        %gather3A_149 = tpu.vector_load_idx %arg11[%add3A_88, %add3A_148] : memref<128x64xf32, #tpu.memory_space<vmem>>[vector<16xi32>, vector<16xi32>], vector<16xf32>,
        %gather3A_150 = tpu.vector_load_idx %arg13[%add3A_88, %add3A_148] : memref<128x64xf32, #tpu.memory_space<vmem>>[vector<16xi32>, vector<16xi32>], vector<16xf32>,
        %mul3A_151 = arith.mulf %gather3A_149, %gather3A_150 : vector<16xf32>
        %slice3A_152 = vector.extract_strided_slice %get3A_122 {offsets = [2], sizes = [1], strides = [1]} : vector<16xf32> to vector<1xf32>
        %squeeze3A_153 = vector.extract %slice3A_152[0] : f32 from vector<1xf32>
        %mul3A_154 = vector.broadcast %squeeze3A_153 : f32 to vector<16xf32>
        %mul3A_155 = arith.mulf %mul3A_151, %mul3A_154 : vector<16xf32>
        %add3A_156 = arith.addf %scan3A_116, %mul3A_155 : vector<16xf32>
        %add3A_157 = arith.constant 3 : i32
        %add3A_158 = vector.broadcast %add3A_157 : i32 to vector<16xi32>
        %add3A_159 = arith.addi %add3A_124, %add3A_158 : vector<16xi32>
        %gather3A_160 = tpu.vector_load_idx %arg11[%add3A_88, %add3A_159] : memref<128x64xf32, #tpu.memory_space<vmem>>[vector<16xi32>, vector<16xi32>], vector<16xf32>,
        %gather3A_161 = tpu.vector_load_idx %arg13[%add3A_88, %add3A_159] : memref<128x64xf32, #tpu.memory_space<vmem>>[vector<16xi32>, vector<16xi32>], vector<16xf32>,
        %mul3A_162 = arith.mulf %gather3A_160, %gather3A_161 : vector<16xf32>
        %slice3A_163 = vector.extract_strided_slice %get3A_122 {offsets = [3], sizes = [1], strides = [1]} : vector<16xf32> to vector<1xf32>
        %squeeze3A_164 = vector.extract %slice3A_163[0] : f32 from vector<1xf32>
        %mul3A_165 = vector.broadcast %squeeze3A_164 : f32 to vector<16xf32>
        %mul3A_166 = arith.mulf %mul3A_162, %mul3A_165 : vector<16xf32>
        %add3A_167 = arith.addf %scan3A_117, %mul3A_166 : vector<16xf32>
        %add3A_168 = arith.constant 4 : i32
        %add3A_169 = vector.broadcast %add3A_168 : i32 to vector<16xi32>
        %add3A_170 = arith.addi %add3A_124, %add3A_169 : vector<16xi32>
        %gather3A_171 = tpu.vector_load_idx %arg11[%add3A_88, %add3A_170] : memref<128x64xf32, #tpu.memory_space<vmem>>[vector<16xi32>, vector<16xi32>], vector<16xf32>,
        %gather3A_172 = tpu.vector_load_idx %arg13[%add3A_88, %add3A_170] : memref<128x64xf32, #tpu.memory_space<vmem>>[vector<16xi32>, vector<16xi32>], vector<16xf32>,
        %mul3A_173 = arith.mulf %gather3A_171, %gather3A_172 : vector<16xf32>
        %slice3A_174 = vector.extract_strided_slice %get3A_122 {offsets = [4], sizes = [1], strides = [1]} : vector<16xf32> to vector<1xf32>
        %squeeze3A_175 = vector.extract %slice3A_174[0] : f32 from vector<1xf32>
        %mul3A_176 = vector.broadcast %squeeze3A_175 : f32 to vector<16xf32>
        %mul3A_177 = arith.mulf %mul3A_173, %mul3A_176 : vector<16xf32>
        %add3A_178 = arith.addf %add3A_134, %mul3A_177 : vector<16xf32>
        %add3A_179 = arith.constant 5 : i32
        %add3A_180 = vector.broadcast %add3A_179 : i32 to vector<16xi32>
        %add3A_181 = arith.addi %add3A_124, %add3A_180 : vector<16xi32>
        %gather3A_182 = tpu.vector_load_idx %arg11[%add3A_88, %add3A_181] : memref<128x64xf32, #tpu.memory_space<vmem>>[vector<16xi32>, vector<16xi32>], vector<16xf32>,
        %gather3A_183 = tpu.vector_load_idx %arg13[%add3A_88, %add3A_181] : memref<128x64xf32, #tpu.memory_space<vmem>>[vector<16xi32>, vector<16xi32>], vector<16xf32>,
        %mul3A_184 = arith.mulf %gather3A_182, %gather3A_183 : vector<16xf32>
        %slice3A_185 = vector.extract_strided_slice %get3A_122 {offsets = [5], sizes = [1], strides = [1]} : vector<16xf32> to vector<1xf32>
        %squeeze3A_186 = vector.extract %slice3A_185[0] : f32 from vector<1xf32>
        %mul3A_187 = vector.broadcast %squeeze3A_186 : f32 to vector<16xf32>
        %mul3A_188 = arith.mulf %mul3A_184, %mul3A_187 : vector<16xf32>
        %add3A_189 = arith.addf %add3A_145, %mul3A_188 : vector<16xf32>
        %add3A_190 = arith.constant 6 : i32
        %add3A_191 = vector.broadcast %add3A_190 : i32 to vector<16xi32>
        %add3A_192 = arith.addi %add3A_124, %add3A_191 : vector<16xi32>
        %gather3A_193 = tpu.vector_load_idx %arg11[%add3A_88, %add3A_192] : memref<128x64xf32, #tpu.memory_space<vmem>>[vector<16xi32>, vector<16xi32>], vector<16xf32>,
        %gather3A_194 = tpu.vector_load_idx %arg13[%add3A_88, %add3A_192] : memref<128x64xf32, #tpu.memory_space<vmem>>[vector<16xi32>, vector<16xi32>], vector<16xf32>,
        %mul3A_195 = arith.mulf %gather3A_193, %gather3A_194 : vector<16xf32>
        %slice3A_196 = vector.extract_strided_slice %get3A_122 {offsets = [6], sizes = [1], strides = [1]} : vector<16xf32> to vector<1xf32>
        %squeeze3A_197 = vector.extract %slice3A_196[0] : f32 from vector<1xf32>
        %mul3A_198 = vector.broadcast %squeeze3A_197 : f32 to vector<16xf32>
        %mul3A_199 = arith.mulf %mul3A_195, %mul3A_198 : vector<16xf32>
        %add3A_200 = arith.addf %add3A_156, %mul3A_199 : vector<16xf32>
        %add3A_201 = arith.constant 7 : i32
        %add3A_202 = vector.broadcast %add3A_201 : i32 to vector<16xi32>
        %add3A_203 = arith.addi %add3A_124, %add3A_202 : vector<16xi32>
        %gather3A_204 = tpu.vector_load_idx %arg11[%add3A_88, %add3A_203] : memref<128x64xf32, #tpu.memory_space<vmem>>[vector<16xi32>, vector<16xi32>], vector<16xf32>,
        %gather3A_205 = tpu.vector_load_idx %arg13[%add3A_88, %add3A_203] : memref<128x64xf32, #tpu.memory_space<vmem>>[vector<16xi32>, vector<16xi32>], vector<16xf32>,
        %mul3A_206 = arith.mulf %gather3A_204, %gather3A_205 : vector<16xf32>
        %slice3A_207 = vector.extract_strided_slice %get3A_122 {offsets = [7], sizes = [1], strides = [1]} : vector<16xf32> to vector<1xf32>
        %squeeze3A_208 = vector.extract %slice3A_207[0] : f32 from vector<1xf32>
        %mul3A_209 = vector.broadcast %squeeze3A_208 : f32 to vector<16xf32>
        %mul3A_210 = arith.mulf %mul3A_206, %mul3A_209 : vector<16xf32>
        %add3A_211 = arith.addf %add3A_167, %mul3A_210 : vector<16xf32>
        %add3A_212 = arith.constant 8 : i32
        %add3A_213 = vector.broadcast %add3A_212 : i32 to vector<16xi32>
        %add3A_214 = arith.addi %add3A_124, %add3A_213 : vector<16xi32>
        %gather3A_215 = tpu.vector_load_idx %arg11[%add3A_88, %add3A_214] : memref<128x64xf32, #tpu.memory_space<vmem>>[vector<16xi32>, vector<16xi32>], vector<16xf32>,
        %gather3A_216 = tpu.vector_load_idx %arg13[%add3A_88, %add3A_214] : memref<128x64xf32, #tpu.memory_space<vmem>>[vector<16xi32>, vector<16xi32>], vector<16xf32>,
        %mul3A_217 = arith.mulf %gather3A_215, %gather3A_216 : vector<16xf32>
        %slice3A_218 = vector.extract_strided_slice %get3A_122 {offsets = [8], sizes = [1], strides = [1]} : vector<16xf32> to vector<1xf32>
        %squeeze3A_219 = vector.extract %slice3A_218[0] : f32 from vector<1xf32>
        %mul3A_220 = vector.broadcast %squeeze3A_219 : f32 to vector<16xf32>
        %mul3A_221 = arith.mulf %mul3A_217, %mul3A_220 : vector<16xf32>
        %add3A_222 = arith.addf %add3A_178, %mul3A_221 : vector<16xf32>
        %add3A_223 = arith.constant 9 : i32
        %add3A_224 = vector.broadcast %add3A_223 : i32 to vector<16xi32>
        %add3A_225 = arith.addi %add3A_124, %add3A_224 : vector<16xi32>
        %gather3A_226 = tpu.vector_load_idx %arg11[%add3A_88, %add3A_225] : memref<128x64xf32, #tpu.memory_space<vmem>>[vector<16xi32>, vector<16xi32>], vector<16xf32>,
        %gather3A_227 = tpu.vector_load_idx %arg13[%add3A_88, %add3A_225] : memref<128x64xf32, #tpu.memory_space<vmem>>[vector<16xi32>, vector<16xi32>], vector<16xf32>,
        %mul3A_228 = arith.mulf %gather3A_226, %gather3A_227 : vector<16xf32>
        %slice3A_229 = vector.extract_strided_slice %get3A_122 {offsets = [9], sizes = [1], strides = [1]} : vector<16xf32> to vector<1xf32>
        %squeeze3A_230 = vector.extract %slice3A_229[0] : f32 from vector<1xf32>
        %mul3A_231 = vector.broadcast %squeeze3A_230 : f32 to vector<16xf32>
        %mul3A_232 = arith.mulf %mul3A_228, %mul3A_231 : vector<16xf32>
        %add3A_233 = arith.addf %add3A_189, %mul3A_232 : vector<16xf32>
        %add3A_234 = arith.constant 10 : i32
        %add3A_235 = vector.broadcast %add3A_234 : i32 to vector<16xi32>
        %add3A_236 = arith.addi %add3A_124, %add3A_235 : vector<16xi32>
        %gather3A_237 = tpu.vector_load_idx %arg11[%add3A_88, %add3A_236] : memref<128x64xf32, #tpu.memory_space<vmem>>[vector<16xi32>, vector<16xi32>], vector<16xf32>,
        %gather3A_238 = tpu.vector_load_idx %arg13[%add3A_88, %add3A_236] : memref<128x64xf32, #tpu.memory_space<vmem>>[vector<16xi32>, vector<16xi32>], vector<16xf32>,
        %mul3A_239 = arith.mulf %gather3A_237, %gather3A_238 : vector<16xf32>
        %slice3A_240 = vector.extract_strided_slice %get3A_122 {offsets = [10], sizes = [1], strides = [1]} : vector<16xf32> to vector<1xf32>
        %squeeze3A_241 = vector.extract %slice3A_240[0] : f32 from vector<1xf32>
        %mul3A_242 = vector.broadcast %squeeze3A_241 : f32 to vector<16xf32>
        %mul3A_243 = arith.mulf %mul3A_239, %mul3A_242 : vector<16xf32>
        %add3A_244 = arith.addf %add3A_200, %mul3A_243 : vector<16xf32>
        %add3A_245 = arith.constant 11 : i32
        %add3A_246 = vector.broadcast %add3A_245 : i32 to vector<16xi32>
        %add3A_247 = arith.addi %add3A_124, %add3A_246 : vector<16xi32>
        %gather3A_248 = tpu.vector_load_idx %arg11[%add3A_88, %add3A_247] : memref<128x64xf32, #tpu.memory_space<vmem>>[vector<16xi32>, vector<16xi32>], vector<16xf32>,
        %gather3A_249 = tpu.vector_load_idx %arg13[%add3A_88, %add3A_247] : memref<128x64xf32, #tpu.memory_space<vmem>>[vector<16xi32>, vector<16xi32>], vector<16xf32>,
        %mul3A_250 = arith.mulf %gather3A_248, %gather3A_249 : vector<16xf32>
        %slice3A_251 = vector.extract_strided_slice %get3A_122 {offsets = [11], sizes = [1], strides = [1]} : vector<16xf32> to vector<1xf32>
        %squeeze3A_252 = vector.extract %slice3A_251[0] : f32 from vector<1xf32>
        %mul3A_253 = vector.broadcast %squeeze3A_252 : f32 to vector<16xf32>
        %mul3A_254 = arith.mulf %mul3A_250, %mul3A_253 : vector<16xf32>
        %add3A_255 = arith.addf %add3A_211, %mul3A_254 : vector<16xf32>
        %add3A_256 = arith.constant 12 : i32
        %add3A_257 = vector.broadcast %add3A_256 : i32 to vector<16xi32>
        %add3A_258 = arith.addi %add3A_124, %add3A_257 : vector<16xi32>
        %gather3A_259 = tpu.vector_load_idx %arg11[%add3A_88, %add3A_258] : memref<128x64xf32, #tpu.memory_space<vmem>>[vector<16xi32>, vector<16xi32>], vector<16xf32>,
        %gather3A_260 = tpu.vector_load_idx %arg13[%add3A_88, %add3A_258] : memref<128x64xf32, #tpu.memory_space<vmem>>[vector<16xi32>, vector<16xi32>], vector<16xf32>,
        %mul3A_261 = arith.mulf %gather3A_259, %gather3A_260 : vector<16xf32>
        %slice3A_262 = vector.extract_strided_slice %get3A_122 {offsets = [12], sizes = [1], strides = [1]} : vector<16xf32> to vector<1xf32>
        %squeeze3A_263 = vector.extract %slice3A_262[0] : f32 from vector<1xf32>
        %mul3A_264 = vector.broadcast %squeeze3A_263 : f32 to vector<16xf32>
        %mul3A_265 = arith.mulf %mul3A_261, %mul3A_264 : vector<16xf32>
        %add3A_266 = arith.addf %add3A_222, %mul3A_265 : vector<16xf32>
        %add3A_267 = arith.constant 13 : i32
        %add3A_268 = vector.broadcast %add3A_267 : i32 to vector<16xi32>
        %add3A_269 = arith.addi %add3A_124, %add3A_268 : vector<16xi32>
        %gather3A_270 = tpu.vector_load_idx %arg11[%add3A_88, %add3A_269] : memref<128x64xf32, #tpu.memory_space<vmem>>[vector<16xi32>, vector<16xi32>], vector<16xf32>,
        %gather3A_271 = tpu.vector_load_idx %arg13[%add3A_88, %add3A_269] : memref<128x64xf32, #tpu.memory_space<vmem>>[vector<16xi32>, vector<16xi32>], vector<16xf32>,
        %mul3A_272 = arith.mulf %gather3A_270, %gather3A_271 : vector<16xf32>
        %slice3A_273 = vector.extract_strided_slice %get3A_122 {offsets = [13], sizes = [1], strides = [1]} : vector<16xf32> to vector<1xf32>
        %squeeze3A_274 = vector.extract %slice3A_273[0] : f32 from vector<1xf32>
        %mul3A_275 = vector.broadcast %squeeze3A_274 : f32 to vector<16xf32>
        %mul3A_276 = arith.mulf %mul3A_272, %mul3A_275 : vector<16xf32>
        %add3A_277 = arith.addf %add3A_233, %mul3A_276 : vector<16xf32>
        %add3A_278 = arith.constant 14 : i32
        %add3A_279 = vector.broadcast %add3A_278 : i32 to vector<16xi32>
        %add3A_280 = arith.addi %add3A_124, %add3A_279 : vector<16xi32>
        %gather3A_281 = tpu.vector_load_idx %arg11[%add3A_88, %add3A_280] : memref<128x64xf32, #tpu.memory_space<vmem>>[vector<16xi32>, vector<16xi32>], vector<16xf32>,
        %gather3A_282 = tpu.vector_load_idx %arg13[%add3A_88, %add3A_280] : memref<128x64xf32, #tpu.memory_space<vmem>>[vector<16xi32>, vector<16xi32>], vector<16xf32>,
        %mul3A_283 = arith.mulf %gather3A_281, %gather3A_282 : vector<16xf32>
        %slice3A_284 = vector.extract_strided_slice %get3A_122 {offsets = [14], sizes = [1], strides = [1]} : vector<16xf32> to vector<1xf32>
        %squeeze3A_285 = vector.extract %slice3A_284[0] : f32 from vector<1xf32>
        %mul3A_286 = vector.broadcast %squeeze3A_285 : f32 to vector<16xf32>
        %mul3A_287 = arith.mulf %mul3A_283, %mul3A_286 : vector<16xf32>
        %add3A_288 = arith.addf %add3A_244, %mul3A_287 : vector<16xf32>
        %add3A_289 = arith.constant 15 : i32
        %add3A_290 = vector.broadcast %add3A_289 : i32 to vector<16xi32>
        %add3A_291 = arith.addi %add3A_124, %add3A_290 : vector<16xi32>
        %gather3A_292 = tpu.vector_load_idx %arg11[%add3A_88, %add3A_291] : memref<128x64xf32, #tpu.memory_space<vmem>>[vector<16xi32>, vector<16xi32>], vector<16xf32>,
        %gather3A_293 = tpu.vector_load_idx %arg13[%add3A_88, %add3A_291] : memref<128x64xf32, #tpu.memory_space<vmem>>[vector<16xi32>, vector<16xi32>], vector<16xf32>,
        %mul3A_294 = arith.mulf %gather3A_292, %gather3A_293 : vector<16xf32>
        %slice3A_295 = vector.extract_strided_slice %get3A_122 {offsets = [15], sizes = [1], strides = [1]} : vector<16xf32> to vector<1xf32>
        %squeeze3A_296 = vector.extract %slice3A_295[0] : f32 from vector<1xf32>
        %mul3A_297 = vector.broadcast %squeeze3A_296 : f32 to vector<16xf32>
        %mul3A_298 = arith.mulf %mul3A_294, %mul3A_297 : vector<16xf32>
        %add3A_299 = arith.addf %add3A_255, %mul3A_298 : vector<16xf32>
        scf.yield %add3A_266, %add3A_277, %add3A_288, %add3A_299 : vector<16xf32>, vector<16xf32>, vector<16xf32>, vector<16xf32>
      }
      %scan3A_104 = arith.constant 4 : i32
      %add3A_105 = arith.addf %scan3A_103#0, %scan3A_103#1 : vector<16xf32>
      %add3A_106 = arith.addf %scan3A_103#2, %scan3A_103#3 : vector<16xf32>
      %add3A_107 = arith.addf %add3A_105, %add3A_106 : vector<16xf32>
      %mul3A_108 = arith.constant 16 : i32
      %mul3A_109 = arith.muli %scan3A_84, %mul3A_108 : i32
      %add3A_110 = arith.constant 384 : i32
      %add3A_111 = arith.addi %add3A_110, %mul3A_109 : i32
      %multiple_of3A = tpu.assume_multiple %add3A_111, 16 : i32
      %swap3A = arith.index_cast %multiple_of3A : i32 to index
      %swap3A_112 = tpu.vector_load %arg15[%swap3A] {strides = array<i32>} : memref<512xf32, #tpu.memory_space<vmem>>, vector<16xf32>,
      tpu.vector_store %arg15[%swap3A], %add3A_107 {strides = array<i32>} : memref<512xf32, #tpu.memory_space<vmem>>, vector<16xf32>,
    }
    %scan3A_83 = arith.constant 8 : i32
    "tpu.region"() ({
      %run_scoped3A = tpu.sem_alloc : memref<!tpu.dma_semaphore, #tpu.memory_space<semaphore_mem>>
      %dma_start3A = tpu.memref_slice %arg7[%mul3A_2] : memref<16384xf32, #tpu.memory_space<hbm>> -> memref<512xf32, #tpu.memory_space<hbm>>
      %dma_start3A_84 = tpu.memref_slice %arg7[%mul3A_2] : memref<16384xf32, #tpu.memory_space<hbm>> -> memref<512xf32, #tpu.memory_space<hbm>>
      tpu.enqueue_dma source(%arg15 : memref<512xf32, #tpu.memory_space<vmem>>) target(%dma_start3A_84 : memref<512xf32, #tpu.memory_space<hbm>>) target_semaphore(%run_scoped3A : memref<!tpu.dma_semaphore, #tpu.memory_space<semaphore_mem>>)
      %dma_wait3A = tpu.memref_slice %arg7[%mul3A_2] : memref<16384xf32, #tpu.memory_space<hbm>> -> memref<512xf32, #tpu.memory_space<hbm>>
      %dma_wait3A_85 = tpu.memref_slice %arg7[%mul3A_2] : memref<16384xf32, #tpu.memory_space<hbm>> -> memref<512xf32, #tpu.memory_space<hbm>>
      tpu.wait_dma2 semaphore(%run_scoped3A : memref<!tpu.dma_semaphore, #tpu.memory_space<semaphore_mem>>) src(%arg15 : memref<512xf32, #tpu.memory_space<vmem>>) dst(%dma_wait3A_85 : memref<512xf32, #tpu.memory_space<hbm>>)
      tpu.yield
    }) : () -> ()
    return
  }
}

</mosaic_0001>

<sc_bundles>
// kernel: kernel.3.cloned.1.call-start
scs
__scs_entry_jumppad:
0x0: {  	(pc) =	sbr.rel $0x88, $3  }
0x1: {  	(tag) =	ssettag $0x0;
	lr =	simm.s32 $0x1  }
0x2: {  	[smem:$0x3F9B] =	sst lr;
	_ =	strace $0xD0000000  }
0x3: {  	_ = 	snop  }
0x4: {  	_ = 	snop  }
0x5: {  	_ = 	snop  }
0x6: {  	_ = 	snop  }
0x7: {  	_ = 	snop  }
__scs_overlays_trampoline_lowered:
0x8: {  	[smem:$0x3FAA] =	sst s0  }
0x9: {  	[smem:$0x3FAB] =	sst s1  }
0xa: {  	[smem:$0x3FAC] =	sst s2  }
0xb: {  	[smem:$0x3FAD] =	sst s3  }
0xc: {  	[smem:$0x3FAE] =	sst s4  }
0xd: {  	[smem:$0x3FAF] =	sst s5  }
0xe: {  	[smem:$0x3FB0] =	sst s6  }
0xf: {  	[smem:$0x3FB1] =	sst s7  }
0x10: {  	[smem:$0x3FB2] =	sst s8  }
0x11: {  	[smem:$0x3FB3] =	sst s9;
	s0 =	simm.s32 @!p0 $0x0  }
0x12: {  	s1 =	sld [smem:$0x3F99];
	s0 =	simm.s32 @p0 $0x1  }
0x13: {  	[smem:$0x3FB4] =	sst s0;
	s0 =	simm.s32 @!p1 $0x0  }
0x14: {  	s2 =	sld [smem:$0x3F98];
	s0 =	simm.s32 @p1 $0x1  }
0x15: {  	[smem:$0x3FB5] =	sst s0;
	s0 =	simm.s32 @!p2 $0x0  }
0x16: {  	s3 =	sld [smem:$0x3FDB];
	s0 =	simm.s32 @p2 $0x1  }
0x17: {  	s4 =	simm.s32 $0x1BF5;
	[smem:$0x3FB7] =	sst s0  }
0x18: {  	s0 =	sld [smem:$0x3F9A];
	_ =	swait.ge [sflag:s4], $0x0  }
0x19: {  	s7 =	sld [smem:$0x3F9B]  }
0x1a: {  	s8 =	sadd.s32 $0xFFFFE003, lr  }
0x1b: {  	s9 =	sadd.s32 $0xFFFFFEF7, lr;
	s5 =	simm.s32 $0xFFFFFFFF;
	p2 =	slt.u32 s8, $0xFFFFF086  }
0x1c: {  	p1 =	slt.u32 s9, $0xF7A;
	s5 =	simm.s32 @!p2 $0x0  }
0x1d: {  	s5 =	simm.s32 @p1 $0x1;
	p0 =	seq.s32 s7, s2  }
0x1e: {  	s7 =	smul.u32 @!p0 $0xF7A, s2;
	p2 =	seq.s32 @!p0 s5, $0x0  }
0x1f: {  	s9 =	smul.u32 $0xF7A, s1;
	s8 =	simm.s32 @!p0 $0x1BF5;
	p2 =	por !p2, p0  }
0x20: {  	[sflag:s8] =	ssyncset.s32 @!p0 $0xFFFFF086;
	s6 =	sadd.s32 @!p0 s3, s7;
	s7 =	simm.s32 @!p0 $0x108  }
0x21: {  	s3 =	sadd.s32 s3, s9;
	s6 =	sadd.s32 @!p0 $0x88, s6;
	s7 =	simm.s32 @p2 $0x1082  }
0x22: {  	[simem:s7], [sflag:s8] =	dma.local @!p0 [hbm:s6], $0xF7A  }
0x23: {  	s9 =	sor.u32 $0xD0000000, s2;
	s6 =	simm.s32 $0x108;
	_ =	swait.ge @!p0 [sflag:s8], $0x0  }
0x24: {  	s3 =	sadd.s32 $0x88, s3;
	s6 =	simm.s32 @!p1 $0x1082;
	[sflag:s4] =	ssyncset.s32 $0xFFFFF086  }
0x25: {  	[simem:s6], [sflag:s4] =	dma.local [hbm:s3], $0xF7A  }
0x26: {  	[smem:$0x3F9B] =	sst s1;
	(tag) =	ssettag s2;
	_ =	strace s9  }
0x27: {  	s1 =	sld [smem:$0x3FAB]  }
0x28: {  	s2 =	sld [smem:$0x3FAC]  }
0x29: {  	s4 =	sld [smem:$0x3FAE]  }
0x2a: {  	p0 =	seq.s32 s5, $0x0;
	s5 =	sld [smem:$0x3FAF]  }
0x2b: {  	s6 =	sld [smem:$0x3FB0]  }
0x2c: {  	s7 =	sld [smem:$0x3FB1]  }
0x2d: {  	s3 =	simm.s32 $0x108;
	s8 =	sld [smem:$0x3FB2]  }
0x2e: {  	s3 =	simm.s32 @!p0 $0x1082;
	s9 =	sld [smem:$0x3FB3]  }
0x2f: {  	lr =	sadd.s32 s0, s3;
	s0 =	sld [smem:$0x3FAA]  }
0x30: {  	s3 =	sld [smem:$0x3FAD]  }
0x31: {  	[smem:$0x3FB6] =	sst s10  }
0x32: {  	s10 =	sld [smem:$0x3FB4];
	_ =	sdelay $0x3  }
0x33: {  	p0 =	seq.s32 s10, $0x1;
	s10 =	sld [smem:$0x3FB6];
	_ =	sdelay $0x3  }
0x34: {  	[smem:$0x3FB6] =	sst s10  }
0x35: {  	s10 =	sld [smem:$0x3FB5];
	_ =	sdelay $0x3  }
0x36: {  	p1 =	seq.s32 s10, $0x1;
	s10 =	sld [smem:$0x3FB6];
	_ =	sdelay $0x3  }
0x37: {  	[smem:$0x3FB6] =	sst s10  }
0x38: {  	s10 =	sld [smem:$0x3FB7]  }
0x39: {  	_ = 	snop;
	(pc) =	sbr.ind lr, $3  }
0x3a: {  	_ = 	snop  }
0x3b: {  	_ = 	snop  }
0x3c: {  	p2 =	seq.s32 s10, $0x1;
	s10 =	sld [smem:$0x3FB6]  }
0x3d: {  	_ =	shalt  }
0x3e: {  	_ =	shalt  }
0x3f: {  	_ =	shalt  }
0x40: {  	_ =	shalt  }
0x41: {  	_ =	shalt  }
0x42: {  	_ =	shalt  }
0x43: {  	_ =	shalt  }
0x44: {  	_ =	shalt  }
0x45: {  	_ =	shalt  }
0x46: {  	_ =	shalt  }
0x47: {  	_ =	shalt  }
0x48: {  	_ =	shalt  }
0x49: {  	_ =	shalt  }
0x4a: {  	_ =	shalt  }
0x4b: {  	_ =	shalt  }
0x4c: {  	_ =	shalt  }
0x4d: {  	_ =	shalt  }
0x4e: {  	_ =	shalt  }
0x4f: {  	_ =	shalt  }
0x50: {  	_ =	shalt  }
0x51: {  	_ =	shalt  }
0x52: {  	_ =	shalt  }
0x53: {  	_ =	shalt  }
0x54: {  	_ =	shalt  }
0x55: {  	_ =	shalt  }
0x56: {  	_ =	shalt  }
0x57: {  	_ =	shalt  }
0x58: {  	_ =	shalt  }
0x59: {  	_ =	shalt  }
0x5a: {  	_ =	shalt  }
0x5b: {  	_ =	shalt  }
0x5c: {  	_ =	shalt  }
0x5d: {  	_ =	shalt  }
0x5e: {  	_ =	shalt  }
0x5f: {  	_ =	shalt  }
0x60: {  	_ =	shalt  }
0x61: {  	_ =	shalt  }
0x62: {  	_ =	shalt  }
0x63: {  	_ =	shalt  }
0x64: {  	_ =	shalt  }
0x65: {  	_ =	shalt  }
0x66: {  	_ =	shalt  }
0x67: {  	_ =	shalt  }
0x68: {  	_ =	shalt  }
0x69: {  	_ =	shalt  }
0x6a: {  	_ =	shalt  }
0x6b: {  	_ =	shalt  }
0x6c: {  	_ =	shalt  }
0x6d: {  	_ =	shalt  }
0x6e: {  	_ =	shalt  }
0x6f: {  	_ =	shalt  }
0x70: {  	_ =	shalt  }
0x71: {  	_ =	shalt  }
0x72: {  	_ =	shalt  }
0x73: {  	_ =	shalt  }
0x74: {  	_ =	shalt  }
0x75: {  	_ =	shalt  }
0x76: {  	_ =	shalt  }
0x77: {  	_ =	shalt  }
0x78: {  	_ =	shalt  }
0x79: {  	_ =	shalt  }
0x7a: {  	_ =	shalt  }
0x7b: {  	_ =	shalt  }
0x7c: {  	_ =	shalt  }
0x7d: {  	_ =	shalt  }
0x7e: {  	_ =	shalt  }
0x7f: {  	_ =	shalt  }
0x80: {  	_ =	shalt  }
0x81: {  	_ =	shalt  }
0x82: {  	_ =	shalt  }
0x83: {  	_ =	shalt  }
0x84: {  	_ =	shalt  }
0x85: {  	_ =	shalt  }
0x86: {  	_ =	shalt  }
0x87: {  	_ =	shalt  }
.Lfunc_end0:
.L_simem_size_0:
called_computation_lowered:
.L_overlay_start_0:
0x88: {  	s2 =	sld [smem:$0x3FD9]  }
0x89: {  	s3 =	sld [smem:$0x3FFE];
	_ =	sdelay $0x1  }
0x8a: {  	s1 =	srdreg.scid  }
0x8b: {  	s0 =	sand.u32 $0x1, s1  }
0x8c: {  	s17 =	sshll.u32 s0, $0xA;
	s2 =	sadd.s32 s3, s2  }
0x8d: {  	s2 =	sadd.s32 s2, s17  }
0x8e: {  	[smem:$0x3FC2] =	sst s2  }
0x8f: {  	_ = 	snop  }
0x90: {  	s2 =	sld [smem:$0x3FC9]  }
0x91: {  	s18 =	sld [smem:$0x3FC8]  }
0x92: {  	s4 =	sld [smem:$0x3FD0];
	(tm) =	ssettm $0x1  }
0x93: {  	s5 =	sld [smem:$0x3FFB];
	_ =	sdelay $0x3  }
0x94: {  	_ =	strace s5  }
0x95: {  	s5 =	sld [smem:$0x3FFC];
	_ =	sdelay $0x3  }
0x96: {  	_ =	strace s5  }
0x97: {  	s5 =	sld [smem:$0x3FFD];
	_ =	sdelay $0x3  }
0x98: {  	_ =	strace s5  }
0x99: {  	_ =	strace $0x8FFFFFFF  }
0x9a: {  	s19 =	sld [smem:$0x3FDB];
	_ =	sdelay $0x1  }
0x9b: {  	s6 =	simm.s32 $_scs_section_size  }
0x9c: {  	s7 =	simm.s32 $_size__tile_overlayer_lowered;
	s8 =	simm.s32 $_tile_overlayer_lowered  }
0x9d: {  	s22 =	simm.s32 $0x1BFF;
	s21 =	sshll.u32 s8, $0x1;
	s5 =	sadd.s32 s6, s19  }
0x9e: {  	s9 =	simm.s32 $0x0;
	s20 =	sshll.u32 s7, $0x1;
	s7 =	sadd.s32 s21, s5  }
0x9f: {  	[timem:s9], [sflag:s22] =	dma.local [hbm:s7], s20  }
0xa0: {  	_ =	swait.ge [sflag:s22], s20  }
0xa1: {  	s6 =	ssub.s32 $0x0, s20;
	[sflag:s22] =	ssyncset.done $0x0  }
0xa2: {  	[sflag:s22] =	ssyncadd.s32 s6;
	_ =	sdelay $0x1  }
0xa3: {  	s23 =	simm.s32 $0x1B8B  }
0xa4: {  	_ =	swait.ge [sflag:s23], $0x1  }
0xa5: {  	[sflag:s23] =	ssyncset.done $0x0  }
0xa6: {  	s25 =	simm.s32 $0x1B8E;
	s24 =	sld [smem:$0x3FFE];
	[sflag:s23] =	ssyncadd.s32 $0xFFFFFFFF  }
0xa7: {  	s26 =	simm.s32 $execute0_lowered;
	[smem:$0x3FD2] =	sst s25  }
0xa8: {  	s7 =	sshll.u32 s26, $0x1;
	_ =	strace $0x80000046;
	[dreg:$0x1] =	wrdreg $0xFFFFFFFF  }
0xa9: {  	s28 =	simm.s32 $_size_execute0_lowered;
	s5 =	sadd.s32 s5, s7;
	[dreg:$0x0] =	wrdreg $0x0  }
0xaa: {  	s7 =	sshll.u32 s28, $0x1;
	[dreg:$0x2] =	wrdreg s5  }
0xab: {  	[dreg:$0x3] =	wrdreg s7  }
0xac: {  	[dreg:$0x4] =	wrdreg $0xC0  }
0xad: {  	_ =	task [dreg:s9], $0x5FFFF  }
0xae: {  	[dreg:$0x1] =	wrdreg $0xFFFFFFFF  }
0xaf: {  	[dreg:$0x0] =	wrdreg $0x60  }
0xb0: {  	[dreg:$0x2] =	wrdreg s2  }
0xb1: {  	[dreg:$0x3] =	wrdreg s18  }
0xb2: {  	[dreg:$0x4] =	wrdreg s24  }
0xb3: {  	[dreg:$0x5] =	wrdreg s4  }
0xb4: {  	[dreg:$0x6] =	wrdreg $0x9  }
0xb5: {  	_ =	task.clear_ibuf [dreg:s9], $0x7FFFF;
	_ =	strace $0x90000046  }
0xb6: {  	s29 =	simm.s32 $0x9;
	_ =	strace $0x80000048  }
0xb7: {  	_ =	swait.ge [sflag:s29], $0x1  }
0xb8: {  	[sflag:s29] =	ssyncadd.s32 $0xFFFFFFFF  }
0xb9: {  	_ =	strace $0x90000048  }
0xba: {  	_ =	sfence  }
0xbb: {  	s30 =	sld [smem:$0x0];
	_ =	sdelay $0x2  }
0xbc: {  	s31 =	sshll.u32 s1, $0xD;
	s1 =	sshrl.u32 s1, $0x2  }
0xbd: {  	s3 =	sand.u32 $0x4000, s31;
	s1 =	sadd.s32 s1, s30  }
0xbe: {  	s0 =	sor.u32 s3, s0;
	s1 =	sshll.u32 s1, $0x11  }
0xbf: {  	s0 =	sor.u32 s1, s0  }
0xc0: {  	s0 =	sadd.s32 $0x8F2B, s0  }
0xc1: {  	[sflag:s0] =	ssyncadd.remote.s32 $0x1  }
0xc2: {  	_ =	sfence.sel $0xFFFF  }
0xc3: {  	[dreg:$0x0] =	wrdreg $0xFFFFFFFF;
	(pc) =	sbr.abs _section_cstart, $3  }
0xc4: {  	[dreg:$0x1] =	wrdreg $0xFFFFFFFF  }
0xc5: {  	_ =	task.clear_ibuf [dreg:s9], $0x2FFFF;
	_ =	strace $0x9FFFFFFF  }
0xc6: {  	(tm) =	ssettm $0x7FFFFFFF  }
0xc7: {  	_ =	shalt  }
tec
execute0_lowered:
.L_overlay_start_1:
0x0: {  	(tag) =	ssettag $0x1  }
0x1: {  	s6 =	rddreg [dreg:$0x0]  }
0x2: {  	s7 =	rddreg [dreg:$0x1]  }
0x3: {  	s5 =	rddreg [dreg:$0x2]  }
0x4: {  	s8 =	rddreg [dreg:$0x3]  }
0x5: {  	s0 =	rddreg [dreg:$0x4];
	s1 =	simm.s32 $0x0;
	s9 =	srdreg.scid  }
0x6: {  	s2 =	stileid.u32;
	s13 =	simm.s32 $0x1;
	s14 =	simm.s32 $0x3  }
0x7: {  	s15 =	simm.s32 $0x400;
	s16 =	simm.s32 $0x8400;
	s17 =	simm.s32 $0x2  }
0x8: {  	s18 =	simm.s32 $0x4;
	s19 =	simm.s32 $0x4400;
	s20 =	simm.s32 $0xC400  }
0x9: {  	s21 =	simm.s32 $0x10480;
	s22 =	simm.s32 $0x0;
	[smem:$0x7FF] =	sst s1  }
0xa: {  	s3 =	sadd.s32 $0x187200, s5;
	s4 =	sadd.s32 $0x800, s5;
	s9 =	sand.u32 $0x1, s9  }
0xb: {  	s11 =	sshll.u32 s2, $0x7;
	s5 =	sadd.s32 $0x10C9600, s5;
	s10 =	ssub.s32 $0x2, s9  }
0xc: {  	_ =	strace $0x80000047;
	s9 =	sshll.u32 s9, $0x6;
	s12 =	sshrl.u32 s10, $0x1  }
0xd: {  	s9 =	sor.u32 s9, s11;
	s11 =	simm.s32 $0x5;
	s10 =	ssub.s32 s10, s12  }
0xe: {  	v0 =	vlaneseq.u32;
	s6 =	sadd.s32 s6, s9;
	s7 =	sadd.s32 s7, s9;
	s8 =	sadd.s32 s8, s9  }
0xf: {  	v0 =	vmul.u32 $0x80, v0;
	s12 =	simm.s32 $0x200;
	s9 =	smax.u32 s10, $0x1;
	s10 =	simm.s32 $0x10400  }
.LBB2_1:
0x10: {  	[tilespmem:s10], [sflag:$0x5] =	stream.linear.gather [hbm4b:s5+s1], $0x80, $0x38;
	[tilespmem:$0x10680] =	vst v63  }
0x11: {  	_ =	swait.ge [sflag:s11], $0x80  }
0x12: {  	[sflag:s11] =	ssyncset.done $0x0  }
0x13: {  	[sflag:s11] =	ssyncadd.s32 $0xFFFFFF80  }
0x14: {  	[tilespmem:s1], [sflag:$0x5] =	stream.linear.gather [hbm4b:s6+s1], $0x200, $0x38;
	[tilespmem:$0x10680] =	vst v63  }
0x15: {  	_ =	swait.ge [sflag:s11], $0x200  }
0x16: {  	[sflag:s11] =	ssyncset.done $0x0  }
0x17: {  	v1 =	vmov s1;
	[sflag:s11] =	ssyncadd.s32 $0xFFFFFE00  }
0x18: {  	[tilespmem:s12], [sflag:$0x5] =	stream.linear.gather [hbm4b:s7+s1], $0x200, $0x38;
	[tilespmem:$0x10680] =	vst v63  }
0x19: {  	_ =	swait.ge [sflag:s11], $0x200  }
0x1a: {  	[sflag:s11] =	ssyncset.done $0x0  }
0x1b: {  	[sflag:s11] =	ssyncadd.s32 $0xFFFFFE00  }
0x1c: {  	v2 =	vld.idx.msk [tilespmem:v1+s1+$0x0], $0xffff  }
0x1d: {  	v1 =	vld.idx.msk [tilespmem:v1+s12+$0x0], $0xffff;
	_ =	sdelay $0x3  }
0x1e: {  	(v2sf) =	vpush v2, $0x0  }
0x1f: {  	(v2sf) =	vpush v1, $0x0;
	_ =	sdelay $0xd  }
0x20: {  	s23 =	spop (v2sf)  }
0x21: {  	s24 =	simm.s32 $0x1;
	s23 =	sshll.u32 s23, $0x4;
	s25 =	spop (v2sf)  }
0x22: {  	v2 =	vmov s24;
	s23 =	sand.u32 $0x1FFFFFF0, s23;
	s26 =	sshll.u32 s25, $0x4  }
0x23: {  	s23 =	sadd.s32 s3, s23;
	s24 =	sand.u32 $0x1FFFFFF0, s26  }
0x24: {  	v1 =	vld [tilespmem:$0x10440];
	[tilespmem:s15], [sflag:$0x1] =	stream.linear.gather [hbm4b:s23+s1], $0x80, $0x38  }
0x25: {  	s29 =	sadd.s32 s4, s24  }
0x26: {  	[tilespmem:s16], [sflag:$0x3] =	stream.linear.gather [hbm4b:s29+s1], $0x80, $0x38;
	[tilespmem:$0x10680] =	vst v63  }
0x27: {  	v3 =	vld.idx.msk [tilespmem:v2+s1+$0x0], $0xffff  }
0x28: {  	v2 =	vld.idx.msk [tilespmem:v2+s12+$0x0], $0xffff;
	_ =	sdelay $0x3  }
0x29: {  	(v2sf) =	vpush v3, $0x0  }
0x2a: {  	(v2sf) =	vpush v2, $0x0;
	_ =	sdelay $0xd  }
0x2b: {  	s31 =	simm.s32 $0x2;
	s25 =	simm.s32 $0x3;
	s30 =	spop (v2sf)  }
0x2c: {  	s23 =	simm.s32 $0x480;
	s26 =	sshll.u32 s30, $0x4;
	s28 =	spop (v2sf)  }
0x2d: {  	s24 =	simm.s32 $0x8400;
	v2 =	vmov s31;
	s26 =	sand.u32 $0x1FFFFFF0, s26;
	s28 =	sshll.u32 s28, $0x4  }
.LBB2_2:
0x2e: {  	p0 =	sne.s32 s25, $0x7F;
	s26 =	sadd.s32 s3, s26;
	s28 =	sand.u32 $0x1FFFFFF0, s28  }
0x2f: {  	[tilespmem:s23], [sflag:$0x1] =	stream.linear.gather [hbm4b:s26+s1], $0x80, $0x38;
	[tilespmem:$0x10680] =	vst v63  }
0x30: {  	s24 =	sadd.s32 $0x80, s24;
	s26 =	sadd.s32 s4, s28  }
0x31: {  	[tilespmem:s24], [sflag:$0x3] =	stream.linear.gather [hbm4b:s26+s1], $0x80, $0x38;
	[tilespmem:$0x10680] =	vst v63  }
0x32: {  	v3 =	vld.idx.msk [tilespmem:v2+s1+$0x0], $0xffff  }
0x33: {  	v2 =	vld.idx.msk [tilespmem:v2+s12+$0x0], $0xffff;
	_ =	sdelay $0x4  }
0x34: {  	(v2sf) =	vpush v3, $0x0  }
0x35: {  	(v2sf) =	vpush v2, $0x0;
	_ =	sdelay $0xb  }
.Ltmp0:
0x36: {  	(pc) =	sbr.rel @p0 .LBB2_2-.Ltmp0, $4  }
0x37: {  	_ = 	snop  }
0x38: {  	s26 =	spop (v2sf)  }
0x39: {  	s23 =	sadd.s32 $0x80, s23;
	s26 =	sshll.u32 s26, $0x4;
	s28 =	spop (v2sf)  }
0x3a: {  	v2 =	vmov s25;
	s25 =	sadd.s32 $0x1, s25;
	s26 =	sand.u32 $0x1FFFFFF0, s26;
	s28 =	sshll.u32 s28, $0x4  }
0x3b: {  	s25 =	sadd.s32 s3, s26;
	s30 =	sand.u32 $0x1FFFFFF0, s28  }
0x3c: {  	[tilespmem:s23], [sflag:$0x1] =	stream.linear.gather [hbm4b:s25+s1], $0x80, $0x38;
	[tilespmem:$0x10680] =	vst v63  }
0x3d: {  	s24 =	sadd.s32 $0x80, s24;
	s31 =	sadd.s32 s4, s30  }
0x3e: {  	[tilespmem:s24], [sflag:$0x3] =	stream.linear.gather [hbm4b:s31+s1], $0x80, $0x38;
	[tilespmem:$0x10680] =	vst v63  }
0x3f: {  	v3 =	vld.idx.msk [tilespmem:v2+s1+$0x0], $0xffff  }
0x40: {  	v2 =	vld.idx.msk [tilespmem:v2+s12+$0x0], $0xffff;
	_ =	sdelay $0x3  }
0x41: {  	(v2sf) =	vpush v3, $0x0  }
0x42: {  	(v2sf) =	vpush v2, $0x0;
	_ =	sdelay $0xd  }
0x43: {  	s26 =	spop (v2sf)  }
0x44: {  	s28 =	simm.s32 $0x80;
	s25 =	sshll.u32 s26, $0x4;
	s29 =	spop (v2sf)  }
0x45: {  	v2 =	vmov s28;
	s25 =	sand.u32 $0x1FFFFFF0, s25;
	s26 =	sshll.u32 s29, $0x4  }
0x46: {  	s30 =	sadd.s32 $0x80, s23;
	s25 =	sadd.s32 s3, s25;
	s26 =	sand.u32 $0x1FFFFFF0, s26  }
0x47: {  	[tilespmem:s30], [sflag:$0x1] =	stream.linear.gather [hbm4b:s25+s1], $0x80, $0x38;
	[tilespmem:$0x10680] =	vst v63  }
0x48: {  	s24 =	sadd.s32 $0x80, s24;
	s31 =	sadd.s32 s4, s26  }
0x49: {  	[tilespmem:s24], [sflag:$0x3] =	stream.linear.gather [hbm4b:s31+s1], $0x80, $0x38;
	[tilespmem:$0x10680] =	vst v63  }
0x4a: {  	v3 =	vld.idx.msk [tilespmem:v2+s1+$0x0], $0xffff  }
0x4b: {  	v2 =	vld.idx.msk [tilespmem:v2+s12+$0x0], $0xffff;
	_ =	sdelay $0x3  }
0x4c: {  	(v2sf) =	vpush v3, $0x0  }
0x4d: {  	(v2sf) =	vpush v2, $0x0;
	_ =	sdelay $0xd  }
0x4e: {  	s24 =	spop (v2sf)  }
0x4f: {  	s25 =	simm.s32 $0x81;
	s23 =	sshll.u32 s24, $0x4;
	s26 =	spop (v2sf)  }
0x50: {  	v2 =	vmov s25;
	s23 =	sand.u32 $0x1FFFFFF0, s23;
	s29 =	sshll.u32 s26, $0x4  }
0x51: {  	s30 =	simm.s32 $0x4400;
	s23 =	sadd.s32 s3, s23;
	s31 =	sand.u32 $0x1FFFFFF0, s29  }
0x52: {  	[tilespmem:s30], [sflag:$0x2] =	stream.linear.gather [hbm4b:s23+s1], $0x80, $0x38;
	[tilespmem:$0x10680] =	vst v63  }
0x53: {  	s24 =	simm.s32 $0xC400;
	s26 =	sadd.s32 s4, s31  }
0x54: {  	[tilespmem:s24], [sflag:$0x4] =	stream.linear.gather [hbm4b:s26+s1], $0x80, $0x38;
	[tilespmem:$0x10680] =	vst v63  }
0x55: {  	v3 =	vld.idx.msk [tilespmem:v2+s1+$0x0], $0xffff  }
0x56: {  	v2 =	vld.idx.msk [tilespmem:v2+s12+$0x0], $0xffff;
	_ =	sdelay $0x3  }
0x57: {  	(v2sf) =	vpush v3, $0x0  }
0x58: {  	(v2sf) =	vpush v2, $0x0;
	_ =	sdelay $0xd  }
0x59: {  	s25 =	simm.s32 $0x83;
	s30 =	spop (v2sf)  }
0x5a: {  	s29 =	simm.s32 $0x82;
	s31 =	sshll.u32 s30, $0x4;
	s28 =	spop (v2sf)  }
0x5b: {  	s23 =	simm.s32 $0x4480;
	v2 =	vmov s29;
	s26 =	sand.u32 $0x1FFFFFF0, s31;
	s28 =	sshll.u32 s28, $0x4  }
.LBB2_4:
0x5c: {  	p0 =	seq.s32 s25, $0xFF;
	s26 =	sadd.s32 s3, s26;
	s28 =	sand.u32 $0x1FFFFFF0, s28  }
0x5d: {  	[tilespmem:s23], [sflag:$0x2] =	stream.linear.gather [hbm4b:s26+s1], $0x80, $0x38;
	[tilespmem:$0x10680] =	vst v63  }
0x5e: {  	s24 =	sadd.s32 $0x80, s24;
	s26 =	sadd.s32 s4, s28  }
0x5f: {  	[tilespmem:s24], [sflag:$0x4] =	stream.linear.gather [hbm4b:s26+s1], $0x80, $0x38;
	[tilespmem:$0x10680] =	vst v63  }
0x60: {  	v3 =	vld.idx.msk [tilespmem:v2+s1+$0x0], $0xffff  }
0x61: {  	v2 =	vld.idx.msk [tilespmem:v2+s12+$0x0], $0xffff;
	_ =	sdelay $0x4  }
0x62: {  	(v2sf) =	vpush v3, $0x0  }
0x63: {  	(v2sf) =	vpush v2, $0x0;
	_ =	sdelay $0xb  }
.Ltmp1:
0x64: {  	(pc) =	sbr.rel @!p0 .LBB2_4-.Ltmp1, $4  }
0x65: {  	_ = 	snop  }
0x66: {  	s26 =	spop (v2sf)  }
0x67: {  	s23 =	sadd.s32 $0x80, s23;
	s26 =	sshll.u32 s26, $0x4;
	s28 =	spop (v2sf)  }
0x68: {  	v2 =	vmov s25;
	s25 =	sadd.s32 $0x1, s25;
	s26 =	sand.u32 $0x1FFFFFF0, s26;
	s28 =	sshll.u32 s28, $0x4  }
0x69: {  	s25 =	sadd.s32 s3, s26;
	s31 =	sand.u32 $0x1FFFFFF0, s28  }
0x6a: {  	[tilespmem:s23], [sflag:$0x2] =	stream.linear.gather [hbm4b:s25+s1], $0x80, $0x38;
	[tilespmem:$0x10680] =	vst v63  }
0x6b: {  	s24 =	sadd.s32 $0x80, s24;
	s26 =	sadd.s32 s4, s31  }
0x6c: {  	[tilespmem:s24], [sflag:$0x4] =	stream.linear.gather [hbm4b:s26+s1], $0x80, $0x38;
	[tilespmem:$0x10680] =	vst v63  }
0x6d: {  	v3 =	vld.idx.msk [tilespmem:v2+s1+$0x0], $0xffff  }
0x6e: {  	v2 =	vld.idx.msk [tilespmem:v2+s12+$0x0], $0xffff;
	_ =	sdelay $0x3  }
0x6f: {  	(v2sf) =	vpush v3, $0x0  }
0x70: {  	(v2sf) =	vpush v2, $0x0;
	_ =	sdelay $0xd  }
0x71: {  	s28 =	spop (v2sf)  }
0x72: {  	s25 =	sshll.u32 s28, $0x4;
	s29 =	spop (v2sf)  }
0x73: {  	s25 =	sand.u32 $0x1FFFFFF0, s25;
	s26 =	sshll.u32 s29, $0x4  }
0x74: {  	s30 =	sadd.s32 $0x80, s23;
	s25 =	sadd.s32 s3, s25;
	s26 =	sand.u32 $0x1FFFFFF0, s26  }
0x75: {  	[tilespmem:s30], [sflag:$0x2] =	stream.linear.gather [hbm4b:s25+s1], $0x80, $0x38;
	[tilespmem:$0x10680] =	vst v63  }
0x76: {  	s24 =	sadd.s32 $0x80, s24;
	s31 =	sadd.s32 s4, s26  }
0x77: {  	[tilespmem:s24], [sflag:$0x4] =	stream.linear.gather [hbm4b:s31+s1], $0x80, $0x38;
	[tilespmem:$0x10680] =	vst v63  }
0x78: {  	_ =	swait.ge [sflag:s13], $0x80  }
0x79: {  	[sflag:s13] =	ssyncset.done $0x0  }
0x7a: {  	[sflag:s13] =	ssyncadd.s32 $0xFFFFFF80  }
0x7b: {  	_ =	swait.ge [sflag:s14], $0x80  }
0x7c: {  	s23 =	simm.s32 $0x7F;
	[sflag:s14] =	ssyncset.done $0x0  }
.LBB2_6:
0x7d: {  	p0 =	seq.s32 s23, $0x1;
	s23 =	sadd.s32 $0xFFFFFFFF, s23;
	[sflag:s14] =	ssyncadd.s32 $0xFFFFFF80  }
.Ltmp2:
0x7e: {  	_ =	swait.ge [sflag:s13], $0x80;
	(pc) =	sbr.rel @!p0 .LBB2_6-.Ltmp2, $4  }
0x7f: {  	[sflag:s13] =	ssyncset.done $0x0  }
0x80: {  	[sflag:s13] =	ssyncadd.s32 $0xFFFFFF80  }
0x81: {  	_ =	swait.ge [sflag:s14], $0x80  }
0x82: {  	[sflag:s14] =	ssyncset.done $0x0  }
0x83: {  	v1 =	vadd.f32 $0.0e+00, v1;
	_ =	sdelay $0x1  }
0x84: {  	[sflag:s14] =	ssyncadd.s32 $0xFFFFFF80;
	s23 =	simm.s32 $0x0;
	s24 =	simm.s32 $0x0;
	v1 =	vbroadcast v1, $0x0  }
.LBB2_8:
0x85: {  	s25 =	sshll.u32 s24, $0x4  }
0x86: {  	v2 =	vmov s25  }
0x87: {  	v2 =	vshll.u32 v2, $0x7  }
0x88: {  	v2 =	vor.u32 v0, v2  }
0x89: {  	v33 =	vor.u32 s23, v2  }
0x8a: {  	v3 =	vor.u32 $0x7, v2  }
0x8b: {  	v4 =	vor.u32 $0x3, v2;
	v9 =	vor.u32 s23, v3  }
0x8c: {  	s26 =	simm.s32 $0x10400;
	v5 =	vor.u32 $0xA, v2;
	v10 =	vor.u32 s23, v4  }
0x8d: {  	v28 =	vld [tilespmem:s26+$0x0];
	v6 =	vor.u32 $0x8, v2;
	v24 =	vor.u32 s23, v5  }
0x8e: {  	v11 =	vor.u32 s23, v6;
	v44 =	vld.idx.msk [tilespmem:v33+s16+$0x0], $0xffff  }
0x8f: {  	v50 =	vld.idx.msk [tilespmem:v33+s15+$0x0], $0xffff  }
0x90: {  	v26 =	vld.idx.msk [tilespmem:v9+s15+$0x0], $0xffff  }
0x91: {  	v7 =	vor.u32 $0x6, v2;
	v18 =	vld.idx.msk [tilespmem:v10+s15+$0x0], $0xffff  }
0x92: {  	v8 =	vor.u32 $0x5, v2;
	v12 =	vor.u32 s23, v7;
	v15 =	vld.idx.msk [tilespmem:v24+s16+$0x0], $0xffff  }
0x93: {  	v14 =	vor.u32 s23, v8;
	v31 =	vld.idx.msk [tilespmem:v11+s16+$0x0], $0xffff  }
0x94: {  	v19 =	vld.idx.msk [tilespmem:v10+s16+$0x0], $0xffff  }
0x95: {  	v13 =	vor.u32 $0x1, v2;
	v29 =	vld.idx.msk [tilespmem:v9+s16+$0x0], $0xffff  }
0x96: {  	v34 =	vor.u32 s23, v13;
	v32 =	vld.idx.msk [tilespmem:v11+s15+$0x0], $0xffff  }
0x97: {  	v11 =	vor.u32 $0x4, v2;
	v41 =	vld.idx.msk [tilespmem:v12+s15+$0x0], $0xffff  }
0x98: {  	v17 =	vbroadcast v28, $0xD;
	v23 =	vld.idx.msk [tilespmem:v14+s16+$0x0], $0xffff;
	v20 =	vor.u32 s23, v11  }
0x99: {  	v37 =	vbroadcast v28, $0x3;
	v21 =	vbroadcast v28, $0xC;
	v10 =	vor.u32 $0xB, v2;
	v42 =	vld.idx.msk [tilespmem:v12+s16+$0x0], $0xffff  }
0x9a: {  	v22 =	vbroadcast v28, $0x9;
	v27 =	vbroadcast v28, $0x6;
	v30 =	vld.idx.msk [tilespmem:v14+s15+$0x0], $0xffff;
	v16 =	vor.u32 s23, v10  }
0x9b: {  	v25 =	vbroadcast v28, $0xA;
	v47 =	vbroadcast v28, $0xB;
	v14 =	vor.u32 $0x2, v2;
	v45 =	vld.idx.msk [tilespmem:v34+s16+$0x0], $0xffff  }
0x9c: {  	v51 =	vbroadcast v28, $0x1;
	v63 =	vbroadcast v28, $0x7;
	v34 =	vld.idx.msk [tilespmem:v34+s15+$0x0], $0xffff;
	v38 =	vor.u32 s23, v14  }
0x9d: {  	v59 =	vbroadcast v28, $0x8;
	v60 =	vbroadcast v28, $0x4;
	v39 =	vld.idx.msk [tilespmem:v20+s15+$0x0], $0xffff  }
0x9e: {  	v62 =	vbroadcast v28, $0x5;
	v40 =	vmul.f32 v19, v18;
	v18 =	vor.u32 $0xC, v2;
	v43 =	vld.idx.msk [tilespmem:v20+s16+$0x0], $0xffff  }
0x9f: {  	v9 =	vbroadcast v28, $0xF;
	v12 =	vbroadcast v28, $0xE;
	v35 =	vld.idx.msk [tilespmem:v16+s16+$0x0], $0xffff;
	v52 =	vor.u32 s23, v18  }
0xa0: {  	v19 =	vor.u32 $0xD, v2;
	v48 =	vmul.f32 v23, v30;
	v30 =	vbroadcast v28, $0x2;
	v36 =	vld.idx.msk [tilespmem:v16+s15+$0x0], $0xffff  }
0xa1: {  	v23 =	vor.u32 $0xF, v2;
	v58 =	vmul.f32 v29, v26;
	v49 =	vld.idx.msk [tilespmem:v38+s16+$0x0], $0xffff;
	v54 =	vor.u32 s23, v19  }
0xa2: {  	v34 =	vmul.f32 v45, v34;
	v31 =	vmul.f32 v31, v32;
	v16 =	vor.u32 $0x9, v2;
	v53 =	vld.idx.msk [tilespmem:v38+s15+$0x0], $0xffff  }
0xa3: {  	v40 =	vmul.f32 v40, v37;
	v46 =	vor.u32 s23, v16;
	v57 =	vmul.f32 v43, v39;
	v39 =	vld.idx.msk [tilespmem:v24+s15+$0x0], $0xffff  }
0xa4: {  	v26 =	vimm.f32 $0.0e+00;
	v42 =	vmul.f32 v42, v41;
	v55 =	vmul.f32 v58, v63;
	v38 =	vld.idx.msk [tilespmem:v52+s15+$0x0], $0xffff  }
0xa5: {  	v63 =	vmul.f32 v34, v51;
	v61 =	vadd.f32 v40, v26;
	v35 =	vmul.f32 v35, v36;
	v40 =	vld.idx.msk [tilespmem:v52+s16+$0x0], $0xffff  }
0xa6: {  	v20 =	vor.u32 $0xE, v2;
	v37 =	vbroadcast v28, $0x0;
	v28 =	vor.u32 s23, v23;
	v43 =	vld.idx.msk [tilespmem:v54+s15+$0x0], $0xffff  }
0xa7: {  	v34 =	vmul.f32 v31, v59;
	v41 =	vadd.f32 v63, v26;
	v45 =	vld.idx.msk [tilespmem:v54+s16+$0x0], $0xffff;
	v29 =	vmul.f32 v35, v47  }
0xa8: {  	v31 =	vmovc v1;
	v24 =	vor.u32 s23, v20;
	v33 =	vld.idx.msk [tilespmem:v46+s15+$0x0], $0xffff;
	v36 =	vmul.f32 v57, v60;
	v47 =	vmul.f32 v44, v50  }
0xa9: {  	s28 =	simm.s32 $0x10;
	v32 =	vadd.f32 v55, v61;
	v35 =	vld.idx.msk [tilespmem:v46+s16+$0x0], $0xffff;
	v46 =	vmul.f32 v49, v53;
	v44 =	vmul.f32 v48, v62  }
.LBB2_9:
0xaa: {  	p0 =	sne.s32 s28, $0x30  }
0xab: {  	v48 =	vor.u32 s28, v4;
	v49 =	vor.u32 s28, v3;
	v37 =	vmul.f32 v47, v37;
	v47 =	vld.idx.msk [tilespmem:v28+s15+$0x0], $0xffff;
	s26 =	sadd.s32 $0x10, s26;
	s29 =	smov.u32 s28;
	s28 =	sadd.s32 $0x10, s28  }
0xac: {  	v39 =	vmul.f32 v15, v39;
	v50 =	vor.u32 s29, v2;
	v51 =	vor.u32 s29, v16;
	v52 =	vld.idx.msk [tilespmem:v28+s16+$0x0], $0xffff  }
0xad: {  	v53 =	vor.u32 s29, v13;
	v54 =	vor.u32 s29, v6;
	v55 =	vor.u32 s29, v5;
	v56 =	vld.idx.msk [tilespmem:v24+s15+$0x0], $0xffff  }
0xae: {  	v57 =	vor.u32 s29, v11;
	v58 =	vor.u32 s29, v8;
	v59 =	vld.idx.msk [tilespmem:v24+s16+$0x0], $0xffff;
	v24 =	vor.u32 s29, v20  }
0xaf: {  	v61 =	vor.u32 s29, v14;
	v62 =	vor.u32 s29, v7;
	v30 =	vmul.f32 v46, v30;
	v60 =	vld [tilespmem:s26+$0x0]  }
0xb0: {  	v63 =	vor.u32 s29, v10;
	v28 =	vor.u32 s29, v23;
	v31 =	vadd.f32 v37, v31;
	v46 =	vld.idx.msk [tilespmem:v49+s15+$0x0], $0xffff  }
0xb1: {  	v27 =	vmul.f32 v42, v27;
	v42 =	vmul.f32 v45, v43;
	v37 =	vld.idx.msk [tilespmem:v48+s15+$0x0], $0xffff  }
0xb2: {  	v38 =	vmul.f32 v40, v38;
	v26 =	vadd.f32 v30, v26;
	v30 =	vadd.f32 v44, v41;
	v15 =	vld.idx.msk [tilespmem:v55+s16+$0x0], $0xffff  }
0xb3: {  	v33 =	vmul.f32 v35, v33;
	v25 =	vmul.f32 v39, v25;
	v31 =	vadd.f32 v36, v31;
	v40 =	vld.idx.msk [tilespmem:v54+s16+$0x0], $0xffff  }
0xb4: {  	v21 =	vmul.f32 v38, v21;
	v26 =	vadd.f32 v27, v26;
	v17 =	vmul.f32 v42, v17;
	v35 =	vld.idx.msk [tilespmem:v48+s16+$0x0], $0xffff  }
0xb5: {  	v22 =	vmul.f32 v33, v22;
	v27 =	vadd.f32 v34, v31;
	v33 =	vmul.f32 v59, v56;
	v36 =	vld.idx.msk [tilespmem:v49+s16+$0x0], $0xffff  }
0xb6: {  	v29 =	vadd.f32 v29, v32;
	v25 =	vadd.f32 v25, v26;
	v26 =	vmul.f32 v52, v47;
	v34 =	vld.idx.msk [tilespmem:v54+s15+$0x0], $0xffff  }
0xb7: {  	v22 =	vadd.f32 v22, v30;
	v31 =	vadd.f32 v21, v27;
	v12 =	vmul.f32 v33, v12;
	v41 =	vld.idx.msk [tilespmem:v62+s15+$0x0], $0xffff  }
0xb8: {  	v9 =	vmul.f32 v26, v9;
	v30 =	vld.idx.msk [tilespmem:v58+s16+$0x0], $0xffff  }
0xb9: {  	v44 =	vadd.f32 v17, v22;
	v26 =	vadd.f32 v12, v25;
	v42 =	vld.idx.msk [tilespmem:v62+s16+$0x0], $0xffff  }
0xba: {  	v33 =	vadd.f32 v9, v29;
	v32 =	vld.idx.msk [tilespmem:v58+s15+$0x0], $0xffff  }
0xbb: {  	v9 =	vbroadcast v60, $0xF;
	v29 =	vld.idx.msk [tilespmem:v63+s16+$0x0], $0xffff  }
0xbc: {  	v17 =	vbroadcast v60, $0xD;
	v12 =	vbroadcast v60, $0xE;
	v38 =	vld.idx.msk [tilespmem:v63+s15+$0x0], $0xffff  }
0xbd: {  	v39 =	vbroadcast v60, $0x3;
	v21 =	vbroadcast v60, $0xC;
	v43 =	vld.idx.msk [tilespmem:v57+s15+$0x0], $0xffff  }
0xbe: {  	v22 =	vbroadcast v60, $0x9;
	v35 =	vmul.f32 v35, v37;
	v45 =	vld.idx.msk [tilespmem:v57+s16+$0x0], $0xffff  }
0xbf: {  	v27 =	vbroadcast v60, $0x6;
	v25 =	vbroadcast v60, $0xA;
	v47 =	vld.idx.msk [tilespmem:v50+s16+$0x0], $0xffff  }
0xc0: {  	v35 =	vmul.f32 v35, v39;
	v49 =	vmul.f32 v30, v32;
	v48 =	vld.idx.msk [tilespmem:v53+s16+$0x0], $0xffff  }
0xc1: {  	v52 =	vbroadcast v60, $0xB;
	v30 =	vbroadcast v60, $0x2;
	v32 =	vld.idx.msk [tilespmem:v53+s15+$0x0], $0xffff  }
0xc2: {  	v37 =	vbroadcast v60, $0x0;
	v29 =	vmul.f32 v29, v38;
	v53 =	vld.idx.msk [tilespmem:v61+s16+$0x0], $0xffff  }
0xc3: {  	v56 =	vor.u32 s29, v18;
	v54 =	vbroadcast v60, $0x1;
	v38 =	vbroadcast v60, $0x7;
	v50 =	vld.idx.msk [tilespmem:v50+s15+$0x0], $0xffff  }
0xc4: {  	v36 =	vmul.f32 v36, v46;
	v43 =	vmul.f32 v45, v43;
	v57 =	vld.idx.msk [tilespmem:v61+s15+$0x0], $0xffff  }
0xc5: {  	v45 =	vbroadcast v60, $0x8;
	v29 =	vmul.f32 v29, v52;
	v52 =	vor.u32 s29, v19;
	v39 =	vld.idx.msk [tilespmem:v55+s15+$0x0], $0xffff  }
0xc6: {  	v46 =	vadd.f32 v35, v33;
	v38 =	vmul.f32 v36, v38;
	v55 =	vbroadcast v60, $0x4;
	v33 =	vld.idx.msk [tilespmem:v51+s15+$0x0], $0xffff  }
.Ltmp3:
0xc7: {  	v34 =	vmul.f32 v40, v34;
	v48 =	vmul.f32 v48, v32;
	v35 =	vld.idx.msk [tilespmem:v51+s16+$0x0], $0xffff;
	(pc) =	sbr.rel @p0 .LBB2_9-.Ltmp3, $4  }
0xc8: {  	v32 =	vadd.f32 v38, v46;
	v36 =	vmul.f32 v43, v55;
	v51 =	vbroadcast v60, $0x5;
	v38 =	vld.idx.msk [tilespmem:v56+s15+$0x0], $0xffff  }
0xc9: {  	v34 =	vmul.f32 v34, v45;
	v46 =	vmul.f32 v48, v54;
	v40 =	vld.idx.msk [tilespmem:v56+s16+$0x0], $0xffff  }
0xca: {  	v42 =	vmul.f32 v42, v41;
	v47 =	vmul.f32 v47, v50;
	v43 =	vld.idx.msk [tilespmem:v52+s15+$0x0], $0xffff  }
0xcb: {  	v41 =	vadd.f32 v46, v44;
	v46 =	vmul.f32 v53, v57;
	v44 =	vmul.f32 v49, v51;
	v45 =	vld.idx.msk [tilespmem:v52+s16+$0x0], $0xffff  }
0xcc: {  	_ =	sdelay $0x3  }
0xcd: {  	v2 =	vld.idx.msk [tilespmem:v28+s15+$0x0], $0xffff  }
0xce: {  	v3 =	vld.idx.msk [tilespmem:v28+s16+$0x0], $0xffff  }
0xcf: {  	v4 =	vmul.f32 v47, v37;
	v5 =	vld.idx.msk [tilespmem:v24+s15+$0x0], $0xffff  }
0xd0: {  	v6 =	vmul.f32 v15, v39;
	v7 =	vld.idx.msk [tilespmem:v24+s16+$0x0], $0xffff;
	v10 =	vmul.f32 v42, v27  }
0xd1: {  	v14 =	vmul.f32 v35, v33;
	v63 =	vadd.f32 v29, v32;
	v8 =	vmul.f32 v46, v30  }
0xd2: {  	v59 =	vadd.f32 v44, v41;
	v4 =	vadd.f32 v4, v31;
	v13 =	vmul.f32 v40, v38  }
0xd3: {  	v6 =	vmul.f32 v6, v25;
	v61 =	vmul.f32 v14, v22;
	v8 =	vadd.f32 v8, v26  }
0xd4: {  	v11 =	vmul.f32 v45, v43;
	v4 =	vadd.f32 v36, v4;
	v60 =	vmul.f32 v13, v21  }
0xd5: {  	v8 =	vadd.f32 v10, v8;
	v5 =	vmul.f32 v7, v5;
	v2 =	vmul.f32 v3, v2  }
0xd6: {  	v62 =	vadd.f32 v61, v59;
	v4 =	vadd.f32 v34, v4;
	v3 =	vmul.f32 v11, v17  }
0xd7: {  	v6 =	vadd.f32 v6, v8;
	v5 =	vmul.f32 v5, v12;
	v2 =	vmul.f32 v2, v9  }
0xd8: {  	v4 =	vadd.f32 v60, v4;
	v3 =	vadd.f32 v3, v62  }
0xd9: {  	s24 =	sadd.s32 $0x1, s24;
	v5 =	vadd.f32 v5, v6;
	v2 =	vadd.f32 v2, v63  }
0xda: {  	p0 =	sne.s32 s24, $0x8  }
.Ltmp4:
0xdb: {  	v3 =	vadd.f32 v3, v4;
	v2 =	vadd.f32 v2, v5;
	(pc) =	sbr.rel @p0 .LBB2_8-.Ltmp4, $3  }
0xdc: {  	_ = 	snop  }
0xdd: {  	v2 =	vadd.f32 v2, v3;
	_ =	sdelay $0x1  }
0xde: {  	[tilespmem:s25+$0x10480] =	vst v2  }
0xdf: {  	s23 =	simm.s32 $0x100  }
0xe0: {  	v2 =	vmov s23;
	_ =	sdelay $0x4  }
0xe1: {  	v3 =	vld.idx.msk [tilespmem:v2+s1+$0x0], $0xffff  }
0xe2: {  	v2 =	vld.idx.msk [tilespmem:v2+s12+$0x0], $0xffff;
	_ =	sdelay $0x3  }
0xe3: {  	(v2sf) =	vpush v3, $0x0  }
0xe4: {  	(v2sf) =	vpush v2, $0x0;
	_ =	sdelay $0xd  }
0xe5: {  	s29 =	spop (v2sf)  }
0xe6: {  	s24 =	simm.s32 $0x101;
	s23 =	sshll.u32 s29, $0x4;
	s25 =	spop (v2sf)  }
0xe7: {  	v2 =	vmov s24;
	s23 =	sand.u32 $0x1FFFFFF0, s23;
	s30 =	sshll.u32 s25, $0x4  }
0xe8: {  	s31 =	simm.s32 $0x400;
	s23 =	sadd.s32 s3, s23;
	s26 =	sand.u32 $0x1FFFFFF0, s30  }
0xe9: {  	[tilespmem:s31], [sflag:$0x1] =	stream.linear.gather [hbm4b:s23+s1], $0x80, $0x38;
	[tilespmem:$0x10680] =	vst v63  }
0xea: {  	s24 =	simm.s32 $0x8400;
	s26 =	sadd.s32 s4, s26  }
0xeb: {  	[tilespmem:s24], [sflag:$0x3] =	stream.linear.gather [hbm4b:s26+s1], $0x80, $0x38;
	[tilespmem:$0x10680] =	vst v63  }
0xec: {  	v3 =	vld.idx.msk [tilespmem:v2+s1+$0x0], $0xffff  }
0xed: {  	v2 =	vld.idx.msk [tilespmem:v2+s12+$0x0], $0xffff;
	_ =	sdelay $0x3  }
0xee: {  	(v2sf) =	vpush v3, $0x0  }
0xef: {  	(v2sf) =	vpush v2, $0x0;
	_ =	sdelay $0xd  }
0xf0: {  	s29 =	simm.s32 $0x102;
	s30 =	spop (v2sf)  }
0xf1: {  	s25 =	simm.s32 $0x103;
	s31 =	sshll.u32 s30, $0x4;
	s28 =	spop (v2sf)  }
0xf2: {  	s23 =	simm.s32 $0x480;
	v2 =	vmov s29;
	s26 =	sand.u32 $0x1FFFFFF0, s31;
	s28 =	sshll.u32 s28, $0x4  }
.LBB2_12:
0xf3: {  	p0 =	sne.s32 s25, $0x17F;
	s26 =	sadd.s32 s3, s26;
	s28 =	sand.u32 $0x1FFFFFF0, s28  }
0xf4: {  	[tilespmem:s23], [sflag:$0x1] =	stream.linear.gather [hbm4b:s26+s1], $0x80, $0x38;
	[tilespmem:$0x10680] =	vst v63  }
0xf5: {  	s24 =	sadd.s32 $0x80, s24;
	s26 =	sadd.s32 s4, s28  }
0xf6: {  	[tilespmem:s24], [sflag:$0x3] =	stream.linear.gather [hbm4b:s26+s1], $0x80, $0x38;
	[tilespmem:$0x10680] =	vst v63  }
0xf7: {  	v3 =	vld.idx.msk [tilespmem:v2+s1+$0x0], $0xffff  }
0xf8: {  	v2 =	vld.idx.msk [tilespmem:v2+s12+$0x0], $0xffff;
	_ =	sdelay $0x4  }
0xf9: {  	(v2sf) =	vpush v3, $0x0  }
0xfa: {  	(v2sf) =	vpush v2, $0x0;
	_ =	sdelay $0xb  }
.Ltmp5:
0xfb: {  	(pc) =	sbr.rel @p0 .LBB2_12-.Ltmp5, $4  }
0xfc: {  	_ = 	snop  }
0xfd: {  	s26 =	spop (v2sf)  }
0xfe: {  	s23 =	sadd.s32 $0x80, s23;
	s26 =	sshll.u32 s26, $0x4;
	s28 =	spop (v2sf)  }
0xff: {  	v2 =	vmov s25;
	s25 =	sadd.s32 $0x1, s25;
	s26 =	sand.u32 $0x1FFFFFF0, s26;
	s28 =	sshll.u32 s28, $0x4  }
0x100: {  	s25 =	sadd.s32 s3, s26;
	s31 =	sand.u32 $0x1FFFFFF0, s28  }
0x101: {  	[tilespmem:s23], [sflag:$0x1] =	stream.linear.gather [hbm4b:s25+s1], $0x80, $0x38;
	[tilespmem:$0x10680] =	vst v63  }
0x102: {  	s24 =	sadd.s32 $0x80, s24;
	s26 =	sadd.s32 s4, s31  }
0x103: {  	[tilespmem:s24], [sflag:$0x3] =	stream.linear.gather [hbm4b:s26+s1], $0x80, $0x38;
	[tilespmem:$0x10680] =	vst v63  }
0x104: {  	v3 =	vld.idx.msk [tilespmem:v2+s1+$0x0], $0xffff  }
0x105: {  	v2 =	vld.idx.msk [tilespmem:v2+s12+$0x0], $0xffff;
	_ =	sdelay $0x3  }
0x106: {  	(v2sf) =	vpush v3, $0x0  }
0x107: {  	(v2sf) =	vpush v2, $0x0;
	_ =	sdelay $0xd  }
0x108: {  	s28 =	spop (v2sf)  }
0x109: {  	s25 =	sshll.u32 s28, $0x4;
	s29 =	spop (v2sf)  }
0x10a: {  	s25 =	sand.u32 $0x1FFFFFF0, s25;
	s26 =	sshll.u32 s29, $0x4  }
0x10b: {  	s30 =	sadd.s32 $0x80, s23;
	s25 =	sadd.s32 s3, s25;
	s26 =	sand.u32 $0x1FFFFFF0, s26  }
0x10c: {  	[tilespmem:s30], [sflag:$0x1] =	stream.linear.gather [hbm4b:s25+s1], $0x80, $0x38;
	[tilespmem:$0x10680] =	vst v63  }
0x10d: {  	s24 =	sadd.s32 $0x80, s24;
	s31 =	sadd.s32 s4, s26  }
0x10e: {  	[tilespmem:s24], [sflag:$0x3] =	stream.linear.gather [hbm4b:s31+s1], $0x80, $0x38;
	[tilespmem:$0x10680] =	vst v63  }
0x10f: {  	_ =	swait.ge [sflag:s17], $0x80  }
0x110: {  	[sflag:s17] =	ssyncset.done $0x0  }
0x111: {  	[sflag:s17] =	ssyncadd.s32 $0xFFFFFF80  }
0x112: {  	_ =	swait.ge [sflag:s18], $0x80  }
0x113: {  	s24 =	simm.s32 $0x7F;
	[sflag:s18] =	ssyncset.done $0x0  }
.LBB2_14:
0x114: {  	p0 =	sne.s32 s24, $0x1;
	s24 =	sadd.s32 $0xFFFFFFFF, s24;
	[sflag:s18] =	ssyncadd.s32 $0xFFFFFF80  }
.Ltmp6:
0x115: {  	_ =	swait.ge [sflag:s17], $0x80;
	(pc) =	sbr.rel @p0 .LBB2_14-.Ltmp6, $4  }
0x116: {  	[sflag:s17] =	ssyncset.done $0x0  }
0x117: {  	[sflag:s17] =	ssyncadd.s32 $0xFFFFFF80  }
0x118: {  	_ =	swait.ge [sflag:s18], $0x80  }
0x119: {  	s23 =	simm.s32 $0x0;
	[sflag:s18] =	ssyncset.done $0x0  }
0x11a: {  	[sflag:s18] =	ssyncadd.s32 $0xFFFFFF80;
	s24 =	simm.s32 $0x0  }
.LBB2_16:
0x11b: {  	s25 =	sshll.u32 s24, $0x4  }
0x11c: {  	v2 =	vmov s25  }
0x11d: {  	v2 =	vshll.u32 v2, $0x7  }
0x11e: {  	v2 =	vor.u32 v0, v2  }
0x11f: {  	v33 =	vor.u32 s23, v2  }
0x120: {  	v3 =	vor.u32 $0x7, v2  }
0x121: {  	v4 =	vor.u32 $0x3, v2;
	v9 =	vor.u32 s23, v3  }
0x122: {  	s26 =	simm.s32 $0x10400;
	v5 =	vor.u32 $0xA, v2;
	v10 =	vor.u32 s23, v4  }
0x123: {  	v28 =	vld [tilespmem:s26+$0x0];
	v6 =	vor.u32 $0x8, v2;
	v24 =	vor.u32 s23, v5  }
0x124: {  	v11 =	vor.u32 s23, v6;
	v44 =	vld.idx.msk [tilespmem:v33+s20+$0x0], $0xffff  }
0x125: {  	v50 =	vld.idx.msk [tilespmem:v33+s19+$0x0], $0xffff  }
0x126: {  	v26 =	vld.idx.msk [tilespmem:v9+s19+$0x0], $0xffff  }
0x127: {  	v7 =	vor.u32 $0x6, v2;
	v18 =	vld.idx.msk [tilespmem:v10+s19+$0x0], $0xffff  }
0x128: {  	v8 =	vor.u32 $0x5, v2;
	v12 =	vor.u32 s23, v7;
	v15 =	vld.idx.msk [tilespmem:v24+s20+$0x0], $0xffff  }
0x129: {  	v14 =	vor.u32 s23, v8;
	v31 =	vld.idx.msk [tilespmem:v11+s20+$0x0], $0xffff  }
0x12a: {  	v19 =	vld.idx.msk [tilespmem:v10+s20+$0x0], $0xffff  }
0x12b: {  	v13 =	vor.u32 $0x1, v2;
	v29 =	vld.idx.msk [tilespmem:v9+s20+$0x0], $0xffff  }
0x12c: {  	v34 =	vor.u32 s23, v13;
	v32 =	vld.idx.msk [tilespmem:v11+s19+$0x0], $0xffff  }
0x12d: {  	v11 =	vor.u32 $0x4, v2;
	v41 =	vld.idx.msk [tilespmem:v12+s19+$0x0], $0xffff  }
0x12e: {  	v17 =	vbroadcast v28, $0xD;
	v23 =	vld.idx.msk [tilespmem:v14+s20+$0x0], $0xffff;
	v20 =	vor.u32 s23, v11  }
0x12f: {  	v37 =	vbroadcast v28, $0x3;
	v21 =	vbroadcast v28, $0xC;
	v10 =	vor.u32 $0xB, v2;
	v42 =	vld.idx.msk [tilespmem:v12+s20+$0x0], $0xffff  }
0x130: {  	v22 =	vbroadcast v28, $0x9;
	v27 =	vbroadcast v28, $0x6;
	v30 =	vld.idx.msk [tilespmem:v14+s19+$0x0], $0xffff;
	v16 =	vor.u32 s23, v10  }
0x131: {  	v25 =	vbroadcast v28, $0xA;
	v47 =	vbroadcast v28, $0xB;
	v14 =	vor.u32 $0x2, v2;
	v45 =	vld.idx.msk [tilespmem:v34+s20+$0x0], $0xffff  }
0x132: {  	v51 =	vbroadcast v28, $0x1;
	v63 =	vbroadcast v28, $0x7;
	v34 =	vld.idx.msk [tilespmem:v34+s19+$0x0], $0xffff;
	v38 =	vor.u32 s23, v14  }
0x133: {  	v59 =	vbroadcast v28, $0x8;
	v60 =	vbroadcast v28, $0x4;
	v39 =	vld.idx.msk [tilespmem:v20+s19+$0x0], $0xffff  }
0x134: {  	v62 =	vbroadcast v28, $0x5;
	v40 =	vmul.f32 v19, v18;
	v18 =	vor.u32 $0xC, v2;
	v43 =	vld.idx.msk [tilespmem:v20+s20+$0x0], $0xffff  }
0x135: {  	v9 =	vbroadcast v28, $0xF;
	v12 =	vbroadcast v28, $0xE;
	v35 =	vld.idx.msk [tilespmem:v16+s20+$0x0], $0xffff;
	v52 =	vor.u32 s23, v18  }
0x136: {  	v19 =	vor.u32 $0xD, v2;
	v48 =	vmul.f32 v23, v30;
	v30 =	vbroadcast v28, $0x2;
	v36 =	vld.idx.msk [tilespmem:v16+s19+$0x0], $0xffff  }
0x137: {  	v23 =	vor.u32 $0xF, v2;
	v58 =	vmul.f32 v29, v26;
	v49 =	vld.idx.msk [tilespmem:v38+s20+$0x0], $0xffff;
	v54 =	vor.u32 s23, v19  }
0x138: {  	v34 =	vmul.f32 v45, v34;
	v31 =	vmul.f32 v31, v32;
	v16 =	vor.u32 $0x9, v2;
	v53 =	vld.idx.msk [tilespmem:v38+s19+$0x0], $0xffff  }
0x139: {  	v40 =	vmul.f32 v40, v37;
	v46 =	vor.u32 s23, v16;
	v57 =	vmul.f32 v43, v39;
	v39 =	vld.idx.msk [tilespmem:v24+s19+$0x0], $0xffff  }
0x13a: {  	v26 =	vimm.f32 $0.0e+00;
	v42 =	vmul.f32 v42, v41;
	v55 =	vmul.f32 v58, v63;
	v38 =	vld.idx.msk [tilespmem:v52+s19+$0x0], $0xffff  }
0x13b: {  	v63 =	vmul.f32 v34, v51;
	v61 =	vadd.f32 v40, v26;
	v35 =	vmul.f32 v35, v36;
	v40 =	vld.idx.msk [tilespmem:v52+s20+$0x0], $0xffff  }
0x13c: {  	v20 =	vor.u32 $0xE, v2;
	v37 =	vbroadcast v28, $0x0;
	v28 =	vor.u32 s23, v23;
	v43 =	vld.idx.msk [tilespmem:v54+s19+$0x0], $0xffff  }
0x13d: {  	v34 =	vmul.f32 v31, v59;
	v41 =	vadd.f32 v63, v26;
	v45 =	vld.idx.msk [tilespmem:v54+s20+$0x0], $0xffff;
	v29 =	vmul.f32 v35, v47  }
0x13e: {  	v31 =	vmovc v1;
	v24 =	vor.u32 s23, v20;
	v33 =	vld.idx.msk [tilespmem:v46+s19+$0x0], $0xffff;
	v36 =	vmul.f32 v57, v60;
	v47 =	vmul.f32 v44, v50  }
0x13f: {  	s28 =	simm.s32 $0x10;
	v32 =	vadd.f32 v55, v61;
	v35 =	vld.idx.msk [tilespmem:v46+s20+$0x0], $0xffff;
	v46 =	vmul.f32 v49, v53;
	v44 =	vmul.f32 v48, v62  }
.LBB2_17:
0x140: {  	p0 =	sne.s32 s28, $0x30  }
0x141: {  	v48 =	vor.u32 s28, v4;
	v49 =	vor.u32 s28, v3;
	v37 =	vmul.f32 v47, v37;
	v47 =	vld.idx.msk [tilespmem:v28+s19+$0x0], $0xffff;
	s26 =	sadd.s32 $0x10, s26;
	s29 =	smov.u32 s28;
	s28 =	sadd.s32 $0x10, s28  }
0x142: {  	v39 =	vmul.f32 v15, v39;
	v50 =	vor.u32 s29, v2;
	v51 =	vor.u32 s29, v16;
	v52 =	vld.idx.msk [tilespmem:v28+s20+$0x0], $0xffff  }
0x143: {  	v53 =	vor.u32 s29, v13;
	v54 =	vor.u32 s29, v6;
	v55 =	vor.u32 s29, v5;
	v56 =	vld.idx.msk [tilespmem:v24+s19+$0x0], $0xffff  }
0x144: {  	v57 =	vor.u32 s29, v11;
	v58 =	vor.u32 s29, v8;
	v59 =	vld.idx.msk [tilespmem:v24+s20+$0x0], $0xffff;
	v24 =	vor.u32 s29, v20  }
0x145: {  	v61 =	vor.u32 s29, v14;
	v62 =	vor.u32 s29, v7;
	v30 =	vmul.f32 v46, v30;
	v60 =	vld [tilespmem:s26+$0x0]  }
0x146: {  	v63 =	vor.u32 s29, v10;
	v28 =	vor.u32 s29, v23;
	v31 =	vadd.f32 v37, v31;
	v46 =	vld.idx.msk [tilespmem:v49+s19+$0x0], $0xffff  }
0x147: {  	v27 =	vmul.f32 v42, v27;
	v42 =	vmul.f32 v45, v43;
	v37 =	vld.idx.msk [tilespmem:v48+s19+$0x0], $0xffff  }
0x148: {  	v38 =	vmul.f32 v40, v38;
	v26 =	vadd.f32 v30, v26;
	v30 =	vadd.f32 v44, v41;
	v15 =	vld.idx.msk [tilespmem:v55+s20+$0x0], $0xffff  }
0x149: {  	v33 =	vmul.f32 v35, v33;
	v25 =	vmul.f32 v39, v25;
	v31 =	vadd.f32 v36, v31;
	v40 =	vld.idx.msk [tilespmem:v54+s20+$0x0], $0xffff  }
0x14a: {  	v21 =	vmul.f32 v38, v21;
	v26 =	vadd.f32 v27, v26;
	v17 =	vmul.f32 v42, v17;
	v35 =	vld.idx.msk [tilespmem:v48+s20+$0x0], $0xffff  }
0x14b: {  	v22 =	vmul.f32 v33, v22;
	v27 =	vadd.f32 v34, v31;
	v33 =	vmul.f32 v59, v56;
	v36 =	vld.idx.msk [tilespmem:v49+s20+$0x0], $0xffff  }
0x14c: {  	v29 =	vadd.f32 v29, v32;
	v25 =	vadd.f32 v25, v26;
	v26 =	vmul.f32 v52, v47;
	v34 =	vld.idx.msk [tilespmem:v54+s19+$0x0], $0xffff  }
0x14d: {  	v22 =	vadd.f32 v22, v30;
	v31 =	vadd.f32 v21, v27;
	v12 =	vmul.f32 v33, v12;
	v41 =	vld.idx.msk [tilespmem:v62+s19+$0x0], $0xffff  }
0x14e: {  	v9 =	vmul.f32 v26, v9;
	v30 =	vld.idx.msk [tilespmem:v58+s20+$0x0], $0xffff  }
0x14f: {  	v44 =	vadd.f32 v17, v22;
	v26 =	vadd.f32 v12, v25;
	v42 =	vld.idx.msk [tilespmem:v62+s20+$0x0], $0xffff  }
0x150: {  	v33 =	vadd.f32 v9, v29;
	v32 =	vld.idx.msk [tilespmem:v58+s19+$0x0], $0xffff  }
0x151: {  	v9 =	vbroadcast v60, $0xF;
	v29 =	vld.idx.msk [tilespmem:v63+s20+$0x0], $0xffff  }
0x152: {  	v17 =	vbroadcast v60, $0xD;
	v12 =	vbroadcast v60, $0xE;
	v38 =	vld.idx.msk [tilespmem:v63+s19+$0x0], $0xffff  }
0x153: {  	v39 =	vbroadcast v60, $0x3;
	v21 =	vbroadcast v60, $0xC;
	v43 =	vld.idx.msk [tilespmem:v57+s19+$0x0], $0xffff  }
0x154: {  	v22 =	vbroadcast v60, $0x9;
	v35 =	vmul.f32 v35, v37;
	v45 =	vld.idx.msk [tilespmem:v57+s20+$0x0], $0xffff  }
0x155: {  	v27 =	vbroadcast v60, $0x6;
	v25 =	vbroadcast v60, $0xA;
	v47 =	vld.idx.msk [tilespmem:v50+s20+$0x0], $0xffff  }
0x156: {  	v35 =	vmul.f32 v35, v39;
	v49 =	vmul.f32 v30, v32;
	v48 =	vld.idx.msk [tilespmem:v53+s20+$0x0], $0xffff  }
0x157: {  	v52 =	vbroadcast v60, $0xB;
	v30 =	vbroadcast v60, $0x2;
	v32 =	vld.idx.msk [tilespmem:v53+s19+$0x0], $0xffff  }
0x158: {  	v37 =	vbroadcast v60, $0x0;
	v29 =	vmul.f32 v29, v38;
	v53 =	vld.idx.msk [tilespmem:v61+s20+$0x0], $0xffff  }
0x159: {  	v56 =	vor.u32 s29, v18;
	v54 =	vbroadcast v60, $0x1;
	v38 =	vbroadcast v60, $0x7;
	v50 =	vld.idx.msk [tilespmem:v50+s19+$0x0], $0xffff  }
0x15a: {  	v36 =	vmul.f32 v36, v46;
	v43 =	vmul.f32 v45, v43;
	v57 =	vld.idx.msk [tilespmem:v61+s19+$0x0], $0xffff  }
0x15b: {  	v45 =	vbroadcast v60, $0x8;
	v29 =	vmul.f32 v29, v52;
	v52 =	vor.u32 s29, v19;
	v39 =	vld.idx.msk [tilespmem:v55+s19+$0x0], $0xffff  }
0x15c: {  	v46 =	vadd.f32 v35, v33;
	v38 =	vmul.f32 v36, v38;
	v55 =	vbroadcast v60, $0x4;
	v33 =	vld.idx.msk [tilespmem:v51+s19+$0x0], $0xffff  }
.Ltmp7:
0x15d: {  	v34 =	vmul.f32 v40, v34;
	v48 =	vmul.f32 v48, v32;
	v35 =	vld.idx.msk [tilespmem:v51+s20+$0x0], $0xffff;
	(pc) =	sbr.rel @p0 .LBB2_17-.Ltmp7, $4  }
0x15e: {  	v32 =	vadd.f32 v38, v46;
	v36 =	vmul.f32 v43, v55;
	v51 =	vbroadcast v60, $0x5;
	v38 =	vld.idx.msk [tilespmem:v56+s19+$0x0], $0xffff  }
0x15f: {  	v34 =	vmul.f32 v34, v45;
	v46 =	vmul.f32 v48, v54;
	v40 =	vld.idx.msk [tilespmem:v56+s20+$0x0], $0xffff  }
0x160: {  	v42 =	vmul.f32 v42, v41;
	v47 =	vmul.f32 v47, v50;
	v43 =	vld.idx.msk [tilespmem:v52+s19+$0x0], $0xffff  }
0x161: {  	v41 =	vadd.f32 v46, v44;
	v46 =	vmul.f32 v53, v57;
	v44 =	vmul.f32 v49, v51;
	v45 =	vld.idx.msk [tilespmem:v52+s20+$0x0], $0xffff  }
0x162: {  	_ =	sdelay $0x3  }
0x163: {  	v2 =	vld.idx.msk [tilespmem:v28+s19+$0x0], $0xffff  }
0x164: {  	v3 =	vld.idx.msk [tilespmem:v28+s20+$0x0], $0xffff  }
0x165: {  	v4 =	vmul.f32 v47, v37;
	v5 =	vld.idx.msk [tilespmem:v24+s19+$0x0], $0xffff  }
0x166: {  	v6 =	vmul.f32 v15, v39;
	v7 =	vld.idx.msk [tilespmem:v24+s20+$0x0], $0xffff;
	v10 =	vmul.f32 v42, v27  }
0x167: {  	v14 =	vmul.f32 v35, v33;
	v63 =	vadd.f32 v29, v32;
	v8 =	vmul.f32 v46, v30  }
0x168: {  	v59 =	vadd.f32 v44, v41;
	v4 =	vadd.f32 v4, v31;
	v13 =	vmul.f32 v40, v38  }
0x169: {  	v6 =	vmul.f32 v6, v25;
	v61 =	vmul.f32 v14, v22;
	v8 =	vadd.f32 v8, v26  }
0x16a: {  	v11 =	vmul.f32 v45, v43;
	v4 =	vadd.f32 v36, v4;
	v60 =	vmul.f32 v13, v21  }
0x16b: {  	v8 =	vadd.f32 v10, v8;
	v5 =	vmul.f32 v7, v5;
	v2 =	vmul.f32 v3, v2  }
0x16c: {  	v62 =	vadd.f32 v61, v59;
	v4 =	vadd.f32 v34, v4;
	v3 =	vmul.f32 v11, v17  }
0x16d: {  	v6 =	vadd.f32 v6, v8;
	v5 =	vmul.f32 v5, v12;
	v2 =	vmul.f32 v2, v9  }
0x16e: {  	v4 =	vadd.f32 v60, v4;
	v3 =	vadd.f32 v3, v62  }
0x16f: {  	s24 =	sadd.s32 $0x1, s24;
	v5 =	vadd.f32 v5, v6;
	v2 =	vadd.f32 v2, v63  }
0x170: {  	p0 =	sne.s32 s24, $0x8  }
.Ltmp8:
0x171: {  	v3 =	vadd.f32 v3, v4;
	v2 =	vadd.f32 v2, v5;
	(pc) =	sbr.rel @p0 .LBB2_16-.Ltmp8, $3  }
0x172: {  	_ = 	snop  }
0x173: {  	v2 =	vadd.f32 v2, v3;
	_ =	sdelay $0x1  }
0x174: {  	[tilespmem:s25+$0x10500] =	vst v2  }
0x175: {  	s23 =	simm.s32 $0x180  }
0x176: {  	v2 =	vmov s23;
	_ =	sdelay $0x4  }
0x177: {  	v3 =	vld.idx.msk [tilespmem:v2+s1+$0x0], $0xffff  }
0x178: {  	v2 =	vld.idx.msk [tilespmem:v2+s12+$0x0], $0xffff;
	_ =	sdelay $0x3  }
0x179: {  	(v2sf) =	vpush v3, $0x0  }
0x17a: {  	(v2sf) =	vpush v2, $0x0;
	_ =	sdelay $0xd  }
0x17b: {  	s29 =	spop (v2sf)  }
0x17c: {  	s24 =	simm.s32 $0x181;
	s23 =	sshll.u32 s29, $0x4;
	s25 =	spop (v2sf)  }
0x17d: {  	v2 =	vmov s24;
	s23 =	sand.u32 $0x1FFFFFF0, s23;
	s30 =	sshll.u32 s25, $0x4  }
0x17e: {  	s31 =	simm.s32 $0x4400;
	s23 =	sadd.s32 s3, s23;
	s26 =	sand.u32 $0x1FFFFFF0, s30  }
0x17f: {  	[tilespmem:s31], [sflag:$0x2] =	stream.linear.gather [hbm4b:s23+s1], $0x80, $0x38;
	[tilespmem:$0x10680] =	vst v63  }
0x180: {  	s24 =	simm.s32 $0xC400;
	s26 =	sadd.s32 s4, s26  }
0x181: {  	[tilespmem:s24], [sflag:$0x4] =	stream.linear.gather [hbm4b:s26+s1], $0x80, $0x38;
	[tilespmem:$0x10680] =	vst v63  }
0x182: {  	v3 =	vld.idx.msk [tilespmem:v2+s1+$0x0], $0xffff  }
0x183: {  	v2 =	vld.idx.msk [tilespmem:v2+s12+$0x0], $0xffff;
	_ =	sdelay $0x3  }
0x184: {  	(v2sf) =	vpush v3, $0x0  }
0x185: {  	(v2sf) =	vpush v2, $0x0;
	_ =	sdelay $0xd  }
0x186: {  	s29 =	simm.s32 $0x182;
	s30 =	spop (v2sf)  }
0x187: {  	s25 =	simm.s32 $0x183;
	s31 =	sshll.u32 s30, $0x4;
	s28 =	spop (v2sf)  }
0x188: {  	s23 =	simm.s32 $0x4480;
	v2 =	vmov s29;
	s26 =	sand.u32 $0x1FFFFFF0, s31;
	s28 =	sshll.u32 s28, $0x4  }
.LBB2_20:
0x189: {  	p0 =	sne.s32 s25, $0x1FF;
	s26 =	sadd.s32 s3, s26;
	s28 =	sand.u32 $0x1FFFFFF0, s28  }
0x18a: {  	[tilespmem:s23], [sflag:$0x2] =	stream.linear.gather [hbm4b:s26+s1], $0x80, $0x38;
	[tilespmem:$0x10680] =	vst v63  }
0x18b: {  	s24 =	sadd.s32 $0x80, s24;
	s26 =	sadd.s32 s4, s28  }
0x18c: {  	[tilespmem:s24], [sflag:$0x4] =	stream.linear.gather [hbm4b:s26+s1], $0x80, $0x38;
	[tilespmem:$0x10680] =	vst v63  }
0x18d: {  	v3 =	vld.idx.msk [tilespmem:v2+s1+$0x0], $0xffff  }
0x18e: {  	v2 =	vld.idx.msk [tilespmem:v2+s12+$0x0], $0xffff;
	_ =	sdelay $0x4  }
0x18f: {  	(v2sf) =	vpush v3, $0x0  }
0x190: {  	(v2sf) =	vpush v2, $0x0;
	_ =	sdelay $0xb  }
.Ltmp9:
0x191: {  	(pc) =	sbr.rel @p0 .LBB2_20-.Ltmp9, $4  }
0x192: {  	_ = 	snop  }
0x193: {  	s26 =	spop (v2sf)  }
0x194: {  	s23 =	sadd.s32 $0x80, s23;
	s26 =	sshll.u32 s26, $0x4;
	s28 =	spop (v2sf)  }
0x195: {  	v2 =	vmov s25;
	s25 =	sadd.s32 $0x1, s25;
	s26 =	sand.u32 $0x1FFFFFF0, s26;
	s28 =	sshll.u32 s28, $0x4  }
0x196: {  	s25 =	sadd.s32 s3, s26;
	s31 =	sand.u32 $0x1FFFFFF0, s28  }
0x197: {  	[tilespmem:s23], [sflag:$0x2] =	stream.linear.gather [hbm4b:s25+s1], $0x80, $0x38;
	[tilespmem:$0x10680] =	vst v63  }
0x198: {  	s24 =	sadd.s32 $0x80, s24;
	s26 =	sadd.s32 s4, s31  }
0x199: {  	[tilespmem:s24], [sflag:$0x4] =	stream.linear.gather [hbm4b:s26+s1], $0x80, $0x38;
	[tilespmem:$0x10680] =	vst v63  }
0x19a: {  	v3 =	vld.idx.msk [tilespmem:v2+s1+$0x0], $0xffff  }
0x19b: {  	v2 =	vld.idx.msk [tilespmem:v2+s12+$0x0], $0xffff;
	_ =	sdelay $0x3  }
0x19c: {  	(v2sf) =	vpush v3, $0x0  }
0x19d: {  	(v2sf) =	vpush v2, $0x0;
	_ =	sdelay $0xd  }
0x19e: {  	s28 =	spop (v2sf)  }
0x19f: {  	s25 =	sshll.u32 s28, $0x4;
	s29 =	spop (v2sf)  }
0x1a0: {  	s25 =	sand.u32 $0x1FFFFFF0, s25;
	s26 =	sshll.u32 s29, $0x4  }
0x1a1: {  	s30 =	sadd.s32 $0x80, s23;
	s25 =	sadd.s32 s3, s25;
	s26 =	sand.u32 $0x1FFFFFF0, s26  }
0x1a2: {  	[tilespmem:s30], [sflag:$0x2] =	stream.linear.gather [hbm4b:s25+s1], $0x80, $0x38;
	[tilespmem:$0x10680] =	vst v63  }
0x1a3: {  	s24 =	sadd.s32 $0x80, s24;
	s31 =	sadd.s32 s4, s26  }
0x1a4: {  	[tilespmem:s24], [sflag:$0x4] =	stream.linear.gather [hbm4b:s31+s1], $0x80, $0x38;
	[tilespmem:$0x10680] =	vst v63  }
0x1a5: {  	_ =	swait.ge [sflag:s13], $0x80  }
0x1a6: {  	[sflag:s13] =	ssyncset.done $0x0  }
0x1a7: {  	[sflag:s13] =	ssyncadd.s32 $0xFFFFFF80  }
0x1a8: {  	_ =	swait.ge [sflag:s14], $0x80  }
0x1a9: {  	s24 =	simm.s32 $0x7F;
	[sflag:s14] =	ssyncset.done $0x0  }
.LBB2_22:
0x1aa: {  	p0 =	sne.s32 s24, $0x1;
	s24 =	sadd.s32 $0xFFFFFFFF, s24;
	[sflag:s14] =	ssyncadd.s32 $0xFFFFFF80  }
.Ltmp10:
0x1ab: {  	_ =	swait.ge [sflag:s13], $0x80;
	(pc) =	sbr.rel @p0 .LBB2_22-.Ltmp10, $4  }
0x1ac: {  	[sflag:s13] =	ssyncset.done $0x0  }
0x1ad: {  	[sflag:s13] =	ssyncadd.s32 $0xFFFFFF80  }
0x1ae: {  	_ =	swait.ge [sflag:s14], $0x80  }
0x1af: {  	s23 =	simm.s32 $0x0;
	[sflag:s14] =	ssyncset.done $0x0  }
0x1b0: {  	[sflag:s14] =	ssyncadd.s32 $0xFFFFFF80;
	s24 =	simm.s32 $0x0  }
.LBB2_24:
0x1b1: {  	s25 =	sshll.u32 s24, $0x4  }
0x1b2: {  	v2 =	vmov s25  }
0x1b3: {  	v2 =	vshll.u32 v2, $0x7  }
0x1b4: {  	v2 =	vor.u32 v0, v2  }
0x1b5: {  	v33 =	vor.u32 s23, v2  }
0x1b6: {  	v3 =	vor.u32 $0x7, v2  }
0x1b7: {  	v4 =	vor.u32 $0x3, v2;
	v9 =	vor.u32 s23, v3  }
0x1b8: {  	s26 =	simm.s32 $0x10400;
	v5 =	vor.u32 $0xA, v2;
	v10 =	vor.u32 s23, v4  }
0x1b9: {  	v28 =	vld [tilespmem:s26+$0x0];
	v6 =	vor.u32 $0x8, v2;
	v24 =	vor.u32 s23, v5  }
0x1ba: {  	v11 =	vor.u32 s23, v6;
	v44 =	vld.idx.msk [tilespmem:v33+s16+$0x0], $0xffff  }
0x1bb: {  	v50 =	vld.idx.msk [tilespmem:v33+s15+$0x0], $0xffff  }
0x1bc: {  	v26 =	vld.idx.msk [tilespmem:v9+s15+$0x0], $0xffff  }
0x1bd: {  	v7 =	vor.u32 $0x6, v2;
	v18 =	vld.idx.msk [tilespmem:v10+s15+$0x0], $0xffff  }
0x1be: {  	v8 =	vor.u32 $0x5, v2;
	v12 =	vor.u32 s23, v7;
	v15 =	vld.idx.msk [tilespmem:v24+s16+$0x0], $0xffff  }
0x1bf: {  	v14 =	vor.u32 s23, v8;
	v31 =	vld.idx.msk [tilespmem:v11+s16+$0x0], $0xffff  }
0x1c0: {  	v19 =	vld.idx.msk [tilespmem:v10+s16+$0x0], $0xffff  }
0x1c1: {  	v13 =	vor.u32 $0x1, v2;
	v29 =	vld.idx.msk [tilespmem:v9+s16+$0x0], $0xffff  }
0x1c2: {  	v34 =	vor.u32 s23, v13;
	v32 =	vld.idx.msk [tilespmem:v11+s15+$0x0], $0xffff  }
0x1c3: {  	v11 =	vor.u32 $0x4, v2;
	v41 =	vld.idx.msk [tilespmem:v12+s15+$0x0], $0xffff  }
0x1c4: {  	v17 =	vbroadcast v28, $0xD;
	v23 =	vld.idx.msk [tilespmem:v14+s16+$0x0], $0xffff;
	v20 =	vor.u32 s23, v11  }
0x1c5: {  	v37 =	vbroadcast v28, $0x3;
	v21 =	vbroadcast v28, $0xC;
	v10 =	vor.u32 $0xB, v2;
	v42 =	vld.idx.msk [tilespmem:v12+s16+$0x0], $0xffff  }
0x1c6: {  	v22 =	vbroadcast v28, $0x9;
	v27 =	vbroadcast v28, $0x6;
	v30 =	vld.idx.msk [tilespmem:v14+s15+$0x0], $0xffff;
	v16 =	vor.u32 s23, v10  }
0x1c7: {  	v25 =	vbroadcast v28, $0xA;
	v47 =	vbroadcast v28, $0xB;
	v14 =	vor.u32 $0x2, v2;
	v45 =	vld.idx.msk [tilespmem:v34+s16+$0x0], $0xffff  }
0x1c8: {  	v51 =	vbroadcast v28, $0x1;
	v63 =	vbroadcast v28, $0x7;
	v34 =	vld.idx.msk [tilespmem:v34+s15+$0x0], $0xffff;
	v38 =	vor.u32 s23, v14  }
0x1c9: {  	v59 =	vbroadcast v28, $0x8;
	v60 =	vbroadcast v28, $0x4;
	v39 =	vld.idx.msk [tilespmem:v20+s15+$0x0], $0xffff  }
0x1ca: {  	v62 =	vbroadcast v28, $0x5;
	v40 =	vmul.f32 v19, v18;
	v18 =	vor.u32 $0xC, v2;
	v43 =	vld.idx.msk [tilespmem:v20+s16+$0x0], $0xffff  }
0x1cb: {  	v9 =	vbroadcast v28, $0xF;
	v12 =	vbroadcast v28, $0xE;
	v35 =	vld.idx.msk [tilespmem:v16+s16+$0x0], $0xffff;
	v52 =	vor.u32 s23, v18  }
0x1cc: {  	v19 =	vor.u32 $0xD, v2;
	v48 =	vmul.f32 v23, v30;
	v30 =	vbroadcast v28, $0x2;
	v36 =	vld.idx.msk [tilespmem:v16+s15+$0x0], $0xffff  }
0x1cd: {  	v23 =	vor.u32 $0xF, v2;
	v58 =	vmul.f32 v29, v26;
	v49 =	vld.idx.msk [tilespmem:v38+s16+$0x0], $0xffff;
	v54 =	vor.u32 s23, v19  }
0x1ce: {  	v34 =	vmul.f32 v45, v34;
	v31 =	vmul.f32 v31, v32;
	v16 =	vor.u32 $0x9, v2;
	v53 =	vld.idx.msk [tilespmem:v38+s15+$0x0], $0xffff  }
0x1cf: {  	v40 =	vmul.f32 v40, v37;
	v46 =	vor.u32 s23, v16;
	v57 =	vmul.f32 v43, v39;
	v39 =	vld.idx.msk [tilespmem:v24+s15+$0x0], $0xffff  }
0x1d0: {  	v26 =	vimm.f32 $0.0e+00;
	v42 =	vmul.f32 v42, v41;
	v55 =	vmul.f32 v58, v63;
	v38 =	vld.idx.msk [tilespmem:v52+s15+$0x0], $0xffff  }
0x1d1: {  	v63 =	vmul.f32 v34, v51;
	v61 =	vadd.f32 v40, v26;
	v35 =	vmul.f32 v35, v36;
	v40 =	vld.idx.msk [tilespmem:v52+s16+$0x0], $0xffff  }
0x1d2: {  	v20 =	vor.u32 $0xE, v2;
	v37 =	vbroadcast v28, $0x0;
	v28 =	vor.u32 s23, v23;
	v43 =	vld.idx.msk [tilespmem:v54+s15+$0x0], $0xffff  }
0x1d3: {  	v34 =	vmul.f32 v31, v59;
	v41 =	vadd.f32 v63, v26;
	v45 =	vld.idx.msk [tilespmem:v54+s16+$0x0], $0xffff;
	v29 =	vmul.f32 v35, v47  }
0x1d4: {  	v31 =	vmovc v1;
	v24 =	vor.u32 s23, v20;
	v33 =	vld.idx.msk [tilespmem:v46+s15+$0x0], $0xffff;
	v36 =	vmul.f32 v57, v60;
	v47 =	vmul.f32 v44, v50  }
0x1d5: {  	s28 =	simm.s32 $0x10;
	v32 =	vadd.f32 v55, v61;
	v35 =	vld.idx.msk [tilespmem:v46+s16+$0x0], $0xffff;
	v46 =	vmul.f32 v49, v53;
	v44 =	vmul.f32 v48, v62  }
.LBB2_25:
0x1d6: {  	p0 =	sne.s32 s28, $0x30  }
0x1d7: {  	v48 =	vor.u32 s28, v4;
	v49 =	vor.u32 s28, v3;
	v37 =	vmul.f32 v47, v37;
	v47 =	vld.idx.msk [tilespmem:v28+s15+$0x0], $0xffff;
	s26 =	sadd.s32 $0x10, s26;
	s29 =	smov.u32 s28;
	s28 =	sadd.s32 $0x10, s28  }
0x1d8: {  	v39 =	vmul.f32 v15, v39;
	v50 =	vor.u32 s29, v2;
	v51 =	vor.u32 s29, v16;
	v52 =	vld.idx.msk [tilespmem:v28+s16+$0x0], $0xffff  }
0x1d9: {  	v53 =	vor.u32 s29, v13;
	v54 =	vor.u32 s29, v6;
	v55 =	vor.u32 s29, v5;
	v56 =	vld.idx.msk [tilespmem:v24+s15+$0x0], $0xffff  }
0x1da: {  	v57 =	vor.u32 s29, v11;
	v58 =	vor.u32 s29, v8;
	v59 =	vld.idx.msk [tilespmem:v24+s16+$0x0], $0xffff;
	v24 =	vor.u32 s29, v20  }
0x1db: {  	v61 =	vor.u32 s29, v14;
	v62 =	vor.u32 s29, v7;
	v30 =	vmul.f32 v46, v30;
	v60 =	vld [tilespmem:s26+$0x0]  }
0x1dc: {  	v63 =	vor.u32 s29, v10;
	v28 =	vor.u32 s29, v23;
	v31 =	vadd.f32 v37, v31;
	v46 =	vld.idx.msk [tilespmem:v49+s15+$0x0], $0xffff  }
0x1dd: {  	v27 =	vmul.f32 v42, v27;
	v42 =	vmul.f32 v45, v43;
	v37 =	vld.idx.msk [tilespmem:v48+s15+$0x0], $0xffff  }
0x1de: {  	v38 =	vmul.f32 v40, v38;
	v26 =	vadd.f32 v30, v26;
	v30 =	vadd.f32 v44, v41;
	v15 =	vld.idx.msk [tilespmem:v55+s16+$0x0], $0xffff  }
0x1df: {  	v33 =	vmul.f32 v35, v33;
	v25 =	vmul.f32 v39, v25;
	v31 =	vadd.f32 v36, v31;
	v40 =	vld.idx.msk [tilespmem:v54+s16+$0x0], $0xffff  }
0x1e0: {  	v21 =	vmul.f32 v38, v21;
	v26 =	vadd.f32 v27, v26;
	v17 =	vmul.f32 v42, v17;
	v35 =	vld.idx.msk [tilespmem:v48+s16+$0x0], $0xffff  }
0x1e1: {  	v22 =	vmul.f32 v33, v22;
	v27 =	vadd.f32 v34, v31;
	v33 =	vmul.f32 v59, v56;
	v36 =	vld.idx.msk [tilespmem:v49+s16+$0x0], $0xffff  }
0x1e2: {  	v29 =	vadd.f32 v29, v32;
	v25 =	vadd.f32 v25, v26;
	v26 =	vmul.f32 v52, v47;
	v34 =	vld.idx.msk [tilespmem:v54+s15+$0x0], $0xffff  }
0x1e3: {  	v22 =	vadd.f32 v22, v30;
	v31 =	vadd.f32 v21, v27;
	v12 =	vmul.f32 v33, v12;
	v41 =	vld.idx.msk [tilespmem:v62+s15+$0x0], $0xffff  }
0x1e4: {  	v9 =	vmul.f32 v26, v9;
	v30 =	vld.idx.msk [tilespmem:v58+s16+$0x0], $0xffff  }
0x1e5: {  	v44 =	vadd.f32 v17, v22;
	v26 =	vadd.f32 v12, v25;
	v42 =	vld.idx.msk [tilespmem:v62+s16+$0x0], $0xffff  }
0x1e6: {  	v33 =	vadd.f32 v9, v29;
	v32 =	vld.idx.msk [tilespmem:v58+s15+$0x0], $0xffff  }
0x1e7: {  	v9 =	vbroadcast v60, $0xF;
	v29 =	vld.idx.msk [tilespmem:v63+s16+$0x0], $0xffff  }
0x1e8: {  	v17 =	vbroadcast v60, $0xD;
	v12 =	vbroadcast v60, $0xE;
	v38 =	vld.idx.msk [tilespmem:v63+s15+$0x0], $0xffff  }
0x1e9: {  	v39 =	vbroadcast v60, $0x3;
	v21 =	vbroadcast v60, $0xC;
	v43 =	vld.idx.msk [tilespmem:v57+s15+$0x0], $0xffff  }
0x1ea: {  	v22 =	vbroadcast v60, $0x9;
	v35 =	vmul.f32 v35, v37;
	v45 =	vld.idx.msk [tilespmem:v57+s16+$0x0], $0xffff  }
0x1eb: {  	v27 =	vbroadcast v60, $0x6;
	v25 =	vbroadcast v60, $0xA;
	v47 =	vld.idx.msk [tilespmem:v50+s16+$0x0], $0xffff  }
0x1ec: {  	v35 =	vmul.f32 v35, v39;
	v49 =	vmul.f32 v30, v32;
	v48 =	vld.idx.msk [tilespmem:v53+s16+$0x0], $0xffff  }
0x1ed: {  	v52 =	vbroadcast v60, $0xB;
	v30 =	vbroadcast v60, $0x2;
	v32 =	vld.idx.msk [tilespmem:v53+s15+$0x0], $0xffff  }
0x1ee: {  	v37 =	vbroadcast v60, $0x0;
	v29 =	vmul.f32 v29, v38;
	v53 =	vld.idx.msk [tilespmem:v61+s16+$0x0], $0xffff  }
0x1ef: {  	v56 =	vor.u32 s29, v18;
	v54 =	vbroadcast v60, $0x1;
	v38 =	vbroadcast v60, $0x7;
	v50 =	vld.idx.msk [tilespmem:v50+s15+$0x0], $0xffff  }
0x1f0: {  	v36 =	vmul.f32 v36, v46;
	v43 =	vmul.f32 v45, v43;
	v57 =	vld.idx.msk [tilespmem:v61+s15+$0x0], $0xffff  }
0x1f1: {  	v45 =	vbroadcast v60, $0x8;
	v29 =	vmul.f32 v29, v52;
	v52 =	vor.u32 s29, v19;
	v39 =	vld.idx.msk [tilespmem:v55+s15+$0x0], $0xffff  }
0x1f2: {  	v46 =	vadd.f32 v35, v33;
	v38 =	vmul.f32 v36, v38;
	v55 =	vbroadcast v60, $0x4;
	v33 =	vld.idx.msk [tilespmem:v51+s15+$0x0], $0xffff  }
.Ltmp11:
0x1f3: {  	v34 =	vmul.f32 v40, v34;
	v48 =	vmul.f32 v48, v32;
	v35 =	vld.idx.msk [tilespmem:v51+s16+$0x0], $0xffff;
	(pc) =	sbr.rel @p0 .LBB2_25-.Ltmp11, $4  }
0x1f4: {  	v32 =	vadd.f32 v38, v46;
	v36 =	vmul.f32 v43, v55;
	v51 =	vbroadcast v60, $0x5;
	v38 =	vld.idx.msk [tilespmem:v56+s15+$0x0], $0xffff  }
0x1f5: {  	v34 =	vmul.f32 v34, v45;
	v46 =	vmul.f32 v48, v54;
	v40 =	vld.idx.msk [tilespmem:v56+s16+$0x0], $0xffff  }
0x1f6: {  	v42 =	vmul.f32 v42, v41;
	v47 =	vmul.f32 v47, v50;
	v43 =	vld.idx.msk [tilespmem:v52+s15+$0x0], $0xffff  }
0x1f7: {  	v41 =	vadd.f32 v46, v44;
	v46 =	vmul.f32 v53, v57;
	v44 =	vmul.f32 v49, v51;
	v45 =	vld.idx.msk [tilespmem:v52+s16+$0x0], $0xffff  }
0x1f8: {  	_ =	sdelay $0x3  }
0x1f9: {  	v2 =	vld.idx.msk [tilespmem:v28+s15+$0x0], $0xffff  }
0x1fa: {  	v3 =	vld.idx.msk [tilespmem:v28+s16+$0x0], $0xffff  }
0x1fb: {  	v4 =	vmul.f32 v47, v37;
	v5 =	vld.idx.msk [tilespmem:v24+s15+$0x0], $0xffff  }
0x1fc: {  	v6 =	vmul.f32 v15, v39;
	v7 =	vld.idx.msk [tilespmem:v24+s16+$0x0], $0xffff;
	v10 =	vmul.f32 v42, v27  }
0x1fd: {  	v14 =	vmul.f32 v35, v33;
	v63 =	vadd.f32 v29, v32;
	v8 =	vmul.f32 v46, v30  }
0x1fe: {  	v59 =	vadd.f32 v44, v41;
	v4 =	vadd.f32 v4, v31;
	v13 =	vmul.f32 v40, v38  }
0x1ff: {  	v6 =	vmul.f32 v6, v25;
	v61 =	vmul.f32 v14, v22;
	v8 =	vadd.f32 v8, v26  }
0x200: {  	v11 =	vmul.f32 v45, v43;
	v4 =	vadd.f32 v36, v4;
	v60 =	vmul.f32 v13, v21  }
0x201: {  	v8 =	vadd.f32 v10, v8;
	v5 =	vmul.f32 v7, v5;
	v2 =	vmul.f32 v3, v2  }
0x202: {  	v62 =	vadd.f32 v61, v59;
	v4 =	vadd.f32 v34, v4;
	v3 =	vmul.f32 v11, v17  }
0x203: {  	v6 =	vadd.f32 v6, v8;
	v5 =	vmul.f32 v5, v12;
	v2 =	vmul.f32 v2, v9  }
0x204: {  	v4 =	vadd.f32 v60, v4;
	v3 =	vadd.f32 v3, v62  }
0x205: {  	s24 =	sadd.s32 $0x1, s24;
	v5 =	vadd.f32 v5, v6;
	v2 =	vadd.f32 v2, v63  }
0x206: {  	p0 =	sne.s32 s24, $0x8  }
.Ltmp12:
0x207: {  	v3 =	vadd.f32 v3, v4;
	v2 =	vadd.f32 v2, v5;
	(pc) =	sbr.rel @p0 .LBB2_24-.Ltmp12, $3  }
0x208: {  	_ = 	snop  }
0x209: {  	v2 =	vadd.f32 v2, v3;
	_ =	sdelay $0x1  }
0x20a: {  	[tilespmem:s25+$0x10580] =	vst v2  }
0x20b: {  	_ =	swait.ge [sflag:s17], $0x80  }
0x20c: {  	[sflag:s17] =	ssyncset.done $0x0  }
0x20d: {  	[sflag:s17] =	ssyncadd.s32 $0xFFFFFF80  }
0x20e: {  	_ =	swait.ge [sflag:s18], $0x80  }
0x20f: {  	s24 =	simm.s32 $0x7F;
	[sflag:s18] =	ssyncset.done $0x0  }
.LBB2_28:
0x210: {  	p0 =	sne.s32 s24, $0x1;
	s24 =	sadd.s32 $0xFFFFFFFF, s24;
	[sflag:s18] =	ssyncadd.s32 $0xFFFFFF80  }
.Ltmp13:
0x211: {  	_ =	swait.ge [sflag:s17], $0x80;
	(pc) =	sbr.rel @p0 .LBB2_28-.Ltmp13, $4  }
0x212: {  	[sflag:s17] =	ssyncset.done $0x0  }
0x213: {  	[sflag:s17] =	ssyncadd.s32 $0xFFFFFF80  }
0x214: {  	_ =	swait.ge [sflag:s18], $0x80  }
0x215: {  	s23 =	simm.s32 $0x0;
	[sflag:s18] =	ssyncset.done $0x0  }
0x216: {  	[sflag:s18] =	ssyncadd.s32 $0xFFFFFF80;
	s24 =	simm.s32 $0x0  }
.LBB2_30:
0x217: {  	s25 =	sshll.u32 s24, $0x4  }
0x218: {  	v2 =	vmov s25  }
0x219: {  	v2 =	vshll.u32 v2, $0x7  }
0x21a: {  	v2 =	vor.u32 v0, v2  }
0x21b: {  	v33 =	vor.u32 s23, v2  }
0x21c: {  	v3 =	vor.u32 $0x7, v2  }
0x21d: {  	v4 =	vor.u32 $0x3, v2;
	v9 =	vor.u32 s23, v3  }
0x21e: {  	s26 =	simm.s32 $0x10400;
	v5 =	vor.u32 $0xA, v2;
	v10 =	vor.u32 s23, v4  }
0x21f: {  	v28 =	vld [tilespmem:s26+$0x0];
	v6 =	vor.u32 $0x8, v2;
	v24 =	vor.u32 s23, v5  }
0x220: {  	v11 =	vor.u32 s23, v6;
	v44 =	vld.idx.msk [tilespmem:v33+s20+$0x0], $0xffff  }
0x221: {  	v50 =	vld.idx.msk [tilespmem:v33+s19+$0x0], $0xffff  }
0x222: {  	v26 =	vld.idx.msk [tilespmem:v9+s19+$0x0], $0xffff  }
0x223: {  	v7 =	vor.u32 $0x6, v2;
	v18 =	vld.idx.msk [tilespmem:v10+s19+$0x0], $0xffff  }
0x224: {  	v8 =	vor.u32 $0x5, v2;
	v12 =	vor.u32 s23, v7;
	v15 =	vld.idx.msk [tilespmem:v24+s20+$0x0], $0xffff  }
0x225: {  	v14 =	vor.u32 s23, v8;
	v31 =	vld.idx.msk [tilespmem:v11+s20+$0x0], $0xffff  }
0x226: {  	v19 =	vld.idx.msk [tilespmem:v10+s20+$0x0], $0xffff  }
0x227: {  	v13 =	vor.u32 $0x1, v2;
	v29 =	vld.idx.msk [tilespmem:v9+s20+$0x0], $0xffff  }
0x228: {  	v34 =	vor.u32 s23, v13;
	v32 =	vld.idx.msk [tilespmem:v11+s19+$0x0], $0xffff  }
0x229: {  	v11 =	vor.u32 $0x4, v2;
	v41 =	vld.idx.msk [tilespmem:v12+s19+$0x0], $0xffff  }
0x22a: {  	v17 =	vbroadcast v28, $0xD;
	v23 =	vld.idx.msk [tilespmem:v14+s20+$0x0], $0xffff;
	v20 =	vor.u32 s23, v11  }
0x22b: {  	v37 =	vbroadcast v28, $0x3;
	v21 =	vbroadcast v28, $0xC;
	v10 =	vor.u32 $0xB, v2;
	v42 =	vld.idx.msk [tilespmem:v12+s20+$0x0], $0xffff  }
0x22c: {  	v22 =	vbroadcast v28, $0x9;
	v27 =	vbroadcast v28, $0x6;
	v30 =	vld.idx.msk [tilespmem:v14+s19+$0x0], $0xffff;
	v16 =	vor.u32 s23, v10  }
0x22d: {  	v25 =	vbroadcast v28, $0xA;
	v47 =	vbroadcast v28, $0xB;
	v14 =	vor.u32 $0x2, v2;
	v45 =	vld.idx.msk [tilespmem:v34+s20+$0x0], $0xffff  }
0x22e: {  	v51 =	vbroadcast v28, $0x1;
	v63 =	vbroadcast v28, $0x7;
	v34 =	vld.idx.msk [tilespmem:v34+s19+$0x0], $0xffff;
	v38 =	vor.u32 s23, v14  }
0x22f: {  	v59 =	vbroadcast v28, $0x8;
	v60 =	vbroadcast v28, $0x4;
	v39 =	vld.idx.msk [tilespmem:v20+s19+$0x0], $0xffff  }
0x230: {  	v62 =	vbroadcast v28, $0x5;
	v40 =	vmul.f32 v19, v18;
	v18 =	vor.u32 $0xC, v2;
	v43 =	vld.idx.msk [tilespmem:v20+s20+$0x0], $0xffff  }
0x231: {  	v9 =	vbroadcast v28, $0xF;
	v12 =	vbroadcast v28, $0xE;
	v35 =	vld.idx.msk [tilespmem:v16+s20+$0x0], $0xffff;
	v52 =	vor.u32 s23, v18  }
0x232: {  	v19 =	vor.u32 $0xD, v2;
	v48 =	vmul.f32 v23, v30;
	v30 =	vbroadcast v28, $0x2;
	v36 =	vld.idx.msk [tilespmem:v16+s19+$0x0], $0xffff  }
0x233: {  	v23 =	vor.u32 $0xF, v2;
	v58 =	vmul.f32 v29, v26;
	v49 =	vld.idx.msk [tilespmem:v38+s20+$0x0], $0xffff;
	v54 =	vor.u32 s23, v19  }
0x234: {  	v34 =	vmul.f32 v45, v34;
	v31 =	vmul.f32 v31, v32;
	v16 =	vor.u32 $0x9, v2;
	v53 =	vld.idx.msk [tilespmem:v38+s19+$0x0], $0xffff  }
0x235: {  	v40 =	vmul.f32 v40, v37;
	v46 =	vor.u32 s23, v16;
	v57 =	vmul.f32 v43, v39;
	v39 =	vld.idx.msk [tilespmem:v24+s19+$0x0], $0xffff  }
0x236: {  	v26 =	vimm.f32 $0.0e+00;
	v42 =	vmul.f32 v42, v41;
	v55 =	vmul.f32 v58, v63;
	v38 =	vld.idx.msk [tilespmem:v52+s19+$0x0], $0xffff  }
0x237: {  	v63 =	vmul.f32 v34, v51;
	v61 =	vadd.f32 v40, v26;
	v35 =	vmul.f32 v35, v36;
	v40 =	vld.idx.msk [tilespmem:v52+s20+$0x0], $0xffff  }
0x238: {  	v20 =	vor.u32 $0xE, v2;
	v37 =	vbroadcast v28, $0x0;
	v28 =	vor.u32 s23, v23;
	v43 =	vld.idx.msk [tilespmem:v54+s19+$0x0], $0xffff  }
0x239: {  	v34 =	vmul.f32 v31, v59;
	v41 =	vadd.f32 v63, v26;
	v45 =	vld.idx.msk [tilespmem:v54+s20+$0x0], $0xffff;
	v29 =	vmul.f32 v35, v47  }
0x23a: {  	v31 =	vmovc v1;
	v24 =	vor.u32 s23, v20;
	v33 =	vld.idx.msk [tilespmem:v46+s19+$0x0], $0xffff;
	v36 =	vmul.f32 v57, v60;
	v47 =	vmul.f32 v44, v50  }
0x23b: {  	s28 =	simm.s32 $0x10;
	v32 =	vadd.f32 v55, v61;
	v35 =	vld.idx.msk [tilespmem:v46+s20+$0x0], $0xffff;
	v46 =	vmul.f32 v49, v53;
	v44 =	vmul.f32 v48, v62  }
.LBB2_31:
0x23c: {  	p0 =	sne.s32 s28, $0x30  }
0x23d: {  	v48 =	vor.u32 s28, v4;
	v49 =	vor.u32 s28, v3;
	v37 =	vmul.f32 v47, v37;
	v47 =	vld.idx.msk [tilespmem:v28+s19+$0x0], $0xffff;
	s26 =	sadd.s32 $0x10, s26;
	s29 =	smov.u32 s28;
	s28 =	sadd.s32 $0x10, s28  }
0x23e: {  	v39 =	vmul.f32 v15, v39;
	v50 =	vor.u32 s29, v2;
	v51 =	vor.u32 s29, v16;
	v52 =	vld.idx.msk [tilespmem:v28+s20+$0x0], $0xffff  }
0x23f: {  	v53 =	vor.u32 s29, v13;
	v54 =	vor.u32 s29, v6;
	v55 =	vor.u32 s29, v5;
	v56 =	vld.idx.msk [tilespmem:v24+s19+$0x0], $0xffff  }
0x240: {  	v57 =	vor.u32 s29, v11;
	v58 =	vor.u32 s29, v8;
	v59 =	vld.idx.msk [tilespmem:v24+s20+$0x0], $0xffff;
	v24 =	vor.u32 s29, v20  }
0x241: {  	v61 =	vor.u32 s29, v14;
	v62 =	vor.u32 s29, v7;
	v30 =	vmul.f32 v46, v30;
	v60 =	vld [tilespmem:s26+$0x0]  }
0x242: {  	v63 =	vor.u32 s29, v10;
	v28 =	vor.u32 s29, v23;
	v31 =	vadd.f32 v37, v31;
	v46 =	vld.idx.msk [tilespmem:v49+s19+$0x0], $0xffff  }
0x243: {  	v27 =	vmul.f32 v42, v27;
	v42 =	vmul.f32 v45, v43;
	v37 =	vld.idx.msk [tilespmem:v48+s19+$0x0], $0xffff  }
0x244: {  	v38 =	vmul.f32 v40, v38;
	v26 =	vadd.f32 v30, v26;
	v30 =	vadd.f32 v44, v41;
	v15 =	vld.idx.msk [tilespmem:v55+s20+$0x0], $0xffff  }
0x245: {  	v33 =	vmul.f32 v35, v33;
	v25 =	vmul.f32 v39, v25;
	v31 =	vadd.f32 v36, v31;
	v40 =	vld.idx.msk [tilespmem:v54+s20+$0x0], $0xffff  }
0x246: {  	v21 =	vmul.f32 v38, v21;
	v26 =	vadd.f32 v27, v26;
	v17 =	vmul.f32 v42, v17;
	v35 =	vld.idx.msk [tilespmem:v48+s20+$0x0], $0xffff  }
0x247: {  	v22 =	vmul.f32 v33, v22;
	v27 =	vadd.f32 v34, v31;
	v33 =	vmul.f32 v59, v56;
	v36 =	vld.idx.msk [tilespmem:v49+s20+$0x0], $0xffff  }
0x248: {  	v29 =	vadd.f32 v29, v32;
	v25 =	vadd.f32 v25, v26;
	v26 =	vmul.f32 v52, v47;
	v34 =	vld.idx.msk [tilespmem:v54+s19+$0x0], $0xffff  }
0x249: {  	v22 =	vadd.f32 v22, v30;
	v31 =	vadd.f32 v21, v27;
	v12 =	vmul.f32 v33, v12;
	v41 =	vld.idx.msk [tilespmem:v62+s19+$0x0], $0xffff  }
0x24a: {  	v9 =	vmul.f32 v26, v9;
	v30 =	vld.idx.msk [tilespmem:v58+s20+$0x0], $0xffff  }
0x24b: {  	v44 =	vadd.f32 v17, v22;
	v26 =	vadd.f32 v12, v25;
	v42 =	vld.idx.msk [tilespmem:v62+s20+$0x0], $0xffff  }
0x24c: {  	v33 =	vadd.f32 v9, v29;
	v32 =	vld.idx.msk [tilespmem:v58+s19+$0x0], $0xffff  }
0x24d: {  	v9 =	vbroadcast v60, $0xF;
	v29 =	vld.idx.msk [tilespmem:v63+s20+$0x0], $0xffff  }
0x24e: {  	v17 =	vbroadcast v60, $0xD;
	v12 =	vbroadcast v60, $0xE;
	v38 =	vld.idx.msk [tilespmem:v63+s19+$0x0], $0xffff  }
0x24f: {  	v39 =	vbroadcast v60, $0x3;
	v21 =	vbroadcast v60, $0xC;
	v43 =	vld.idx.msk [tilespmem:v57+s19+$0x0], $0xffff  }
0x250: {  	v22 =	vbroadcast v60, $0x9;
	v35 =	vmul.f32 v35, v37;
	v45 =	vld.idx.msk [tilespmem:v57+s20+$0x0], $0xffff  }
0x251: {  	v27 =	vbroadcast v60, $0x6;
	v25 =	vbroadcast v60, $0xA;
	v47 =	vld.idx.msk [tilespmem:v50+s20+$0x0], $0xffff  }
0x252: {  	v35 =	vmul.f32 v35, v39;
	v49 =	vmul.f32 v30, v32;
	v48 =	vld.idx.msk [tilespmem:v53+s20+$0x0], $0xffff  }
0x253: {  	v52 =	vbroadcast v60, $0xB;
	v30 =	vbroadcast v60, $0x2;
	v32 =	vld.idx.msk [tilespmem:v53+s19+$0x0], $0xffff  }
0x254: {  	v37 =	vbroadcast v60, $0x0;
	v29 =	vmul.f32 v29, v38;
	v53 =	vld.idx.msk [tilespmem:v61+s20+$0x0], $0xffff  }
0x255: {  	v56 =	vor.u32 s29, v18;
	v54 =	vbroadcast v60, $0x1;
	v38 =	vbroadcast v60, $0x7;
	v50 =	vld.idx.msk [tilespmem:v50+s19+$0x0], $0xffff  }
0x256: {  	v36 =	vmul.f32 v36, v46;
	v43 =	vmul.f32 v45, v43;
	v57 =	vld.idx.msk [tilespmem:v61+s19+$0x0], $0xffff  }
0x257: {  	v45 =	vbroadcast v60, $0x8;
	v29 =	vmul.f32 v29, v52;
	v52 =	vor.u32 s29, v19;
	v39 =	vld.idx.msk [tilespmem:v55+s19+$0x0], $0xffff  }
0x258: {  	v46 =	vadd.f32 v35, v33;
	v38 =	vmul.f32 v36, v38;
	v55 =	vbroadcast v60, $0x4;
	v33 =	vld.idx.msk [tilespmem:v51+s19+$0x0], $0xffff  }
.Ltmp14:
0x259: {  	v34 =	vmul.f32 v40, v34;
	v48 =	vmul.f32 v48, v32;
	v35 =	vld.idx.msk [tilespmem:v51+s20+$0x0], $0xffff;
	(pc) =	sbr.rel @p0 .LBB2_31-.Ltmp14, $4  }
0x25a: {  	v32 =	vadd.f32 v38, v46;
	v36 =	vmul.f32 v43, v55;
	v51 =	vbroadcast v60, $0x5;
	v38 =	vld.idx.msk [tilespmem:v56+s19+$0x0], $0xffff  }
0x25b: {  	v34 =	vmul.f32 v34, v45;
	v46 =	vmul.f32 v48, v54;
	v40 =	vld.idx.msk [tilespmem:v56+s20+$0x0], $0xffff  }
0x25c: {  	v42 =	vmul.f32 v42, v41;
	v47 =	vmul.f32 v47, v50;
	v43 =	vld.idx.msk [tilespmem:v52+s19+$0x0], $0xffff  }
0x25d: {  	v41 =	vadd.f32 v46, v44;
	v46 =	vmul.f32 v53, v57;
	v44 =	vmul.f32 v49, v51;
	v45 =	vld.idx.msk [tilespmem:v52+s20+$0x0], $0xffff  }
0x25e: {  	_ =	sdelay $0x3  }
0x25f: {  	v2 =	vld.idx.msk [tilespmem:v28+s19+$0x0], $0xffff  }
0x260: {  	v3 =	vld.idx.msk [tilespmem:v28+s20+$0x0], $0xffff  }
0x261: {  	v4 =	vmul.f32 v47, v37;
	v5 =	vld.idx.msk [tilespmem:v24+s19+$0x0], $0xffff  }
0x262: {  	v6 =	vmul.f32 v15, v39;
	v7 =	vld.idx.msk [tilespmem:v24+s20+$0x0], $0xffff;
	v10 =	vmul.f32 v42, v27  }
0x263: {  	v14 =	vmul.f32 v35, v33;
	v63 =	vadd.f32 v29, v32;
	v8 =	vmul.f32 v46, v30  }
0x264: {  	v59 =	vadd.f32 v44, v41;
	v4 =	vadd.f32 v4, v31;
	v13 =	vmul.f32 v40, v38  }
0x265: {  	v6 =	vmul.f32 v6, v25;
	v61 =	vmul.f32 v14, v22;
	v8 =	vadd.f32 v8, v26  }
0x266: {  	v11 =	vmul.f32 v45, v43;
	v4 =	vadd.f32 v36, v4;
	v60 =	vmul.f32 v13, v21  }
0x267: {  	v8 =	vadd.f32 v10, v8;
	v5 =	vmul.f32 v7, v5;
	v2 =	vmul.f32 v3, v2  }
0x268: {  	v62 =	vadd.f32 v61, v59;
	v4 =	vadd.f32 v34, v4;
	v3 =	vmul.f32 v11, v17  }
0x269: {  	v6 =	vadd.f32 v6, v8;
	v5 =	vmul.f32 v5, v12;
	v2 =	vmul.f32 v2, v9  }
0x26a: {  	v4 =	vadd.f32 v60, v4;
	v3 =	vadd.f32 v3, v62  }
0x26b: {  	s24 =	sadd.s32 $0x1, s24;
	v5 =	vadd.f32 v5, v6;
	v2 =	vadd.f32 v2, v63  }
0x26c: {  	p0 =	sne.s32 s24, $0x8  }
.Ltmp15:
0x26d: {  	v3 =	vadd.f32 v3, v4;
	v2 =	vadd.f32 v2, v5;
	(pc) =	sbr.rel @p0 .LBB2_30-.Ltmp15, $3  }
0x26e: {  	_ = 	snop  }
0x26f: {  	v2 =	vadd.f32 v2, v3;
	_ =	sdelay $0x1  }
0x270: {  	[tilespmem:s25+$0x10600] =	vst v2  }
0x271: {  	s22 =	sadd.s32 $0x1, s22  }
0x272: {  	p0 =	sne.s32 s22, s9  }
.Ltmp16:
0x273: {  	_ = 	snop;
	(pc) =	sbr.rel @p0 .LBB2_1-.Ltmp16, $4  }
0x274: {  	[hbm4b:s8+s1] =	stream.linear.scatter [tilespmem:s21], [sflag:$0x5], $0x200, $0x38;
	[tilespmem:$0x10680] =	vst v63  }
0x275: {  	_ =	swait.ge [sflag:s11], $0x200  }
0x276: {  	[sflag:s11] =	ssyncset.done $0x0  }
0x277: {  	[sflag:s11] =	ssyncadd.s32 $0xFFFFFE00  }
0x278: {  	_ =	sfence.sel $0x180000  }
0x279: {  	[bflag:$0x0] =	sbarrier.arrive $0xFFFF  }
0x27a: {  	p0 =	sne.s32 s2, $0x0;
	_ =	strace $0x90000047  }
0x27b: {  	s0 =	sadd.s32 @!p0 $0x100000, s0;
	[bflag:$0x2] =	sbarrier.arrive $0xFFFF  }
0x27c: {  	[sflag:s0] =	ssyncadd.tile.s32 @!p0 $0x1;
	_ =	shalt  }
.Lfunc_end2:
_tile_overlayer_lowered:
.L_overlay_start_2:
0x27d: {  	(tag) =	ssettag $0x2  }
0x27e: {  	s0 =	rddreg [dreg:$0x0];
	s2 =	stileid.u32  }
0x27f: {  	s1 =	rddreg [dreg:$0x1];
	p0 =	sne.s32 s2, $0x0  }
0x280: {  	s3 =	rddreg [dreg:$0x2];
	[bflag:$0x3] =	sbarrier.arrive $0xFFFF;
	s2 =	simm.s32 @!p0 $0x1C05  }
0x281: {  	[timem:s3], [sflag:s2] =	dma.local @!p0 [hbm:s0], s1  }
0x282: {  	s0 =	simm.s32 @!p0 $0x5  }
0x283: {  	_ =	swait.ge @!p0 [sflag:s0], s1  }
0x284: {  	s1 =	ssub.s32 @!p0 $0x0, s1;
	[sflag:s0] =	ssyncset.done @!p0 $0x0  }
0x285: {  	[sflag:s0] =	ssyncadd.s32 @!p0 s1  }
0x286: {  	[bflag:$0x3] =	sbarrier.arrive $0xFFFF  }
0x287: {  	_ =	shalt  }

</sc_bundles>
